<compile_context>
chip_gen: v7x
topology: tpu7x:2x2x1
jax: 0.10.2.dev20260603
libtpu: 0.0.44.dev20260713+nightly
codegen_flags: <defaults>
</compile_context>

<pallas_src>
import functools

import jax
import jax.numpy as jnp
from jax import lax
from jax.experimental import pallas as pl
from jax.experimental.pallas import tpu as pltpu
from jax.experimental.pallas import tpu_sc as plsc

_R, _N = 64, 8192
_K = 512
_P = 544
_NCHUNK = _N // 16


def _thr_body(x_ref, t_ref, s_ref):
    s_ref[:] = x_ref[:] * 0.5
    s = s_ref[:]
    tau = jnp.max(s, axis=1, keepdims=True) - 1.0
    for _ in range(4):
        r = jnp.maximum(s - tau, 0.0)
        g = jnp.sum(r * r, axis=1, keepdims=True) - 1.0
        h = jnp.sum(r, axis=1, keepdims=True)
        tau = tau + g / (2.0 * h)
    t_ref[:] = 2.0 * (tau - 2e-3)


def _sc_compact(X, thr):
    mesh = plsc.VectorSubcoreMesh(core_axis_name="c", subcore_axis_name="s")

    @functools.partial(
        pl.kernel,
        mesh=mesh,
        compiler_params=pltpu.CompilerParams(needs_layout_passes=False),
        out_type=jax.ShapeDtypeStruct((_R, _P), jnp.float32),
        scratch_types=[
            pltpu.VMEM((_N,), jnp.float32),
            pltpu.VMEM((_P,), jnp.float32),
            pltpu.VMEM((80,), jnp.float32),
        ],
    )
    def k(x_hbm, thr_hbm, pool_hbm, xv, poolv, thrv):
        cid = lax.axis_index("c")
        sid = lax.axis_index("s")
        wid = sid * 2 + cid
        pltpu.sync_copy(thr_hbm, thrv.at[pl.ds(0, _R)])
        for rr in range(2):
            r = wid * 2 + rr
            th = thrv[pl.ds(r, 16)][0]
            pltpu.sync_copy(x_hbm.at[r], xv)

            def body(i, offv):
                for u in range(4):
                    v = xv[pl.ds((i * 4 + u) * 16, 16)]
                    mask = v >= th
                    mi = mask.astype(jnp.int32)
                    pos = plsc.cumsum(mi) - mi
                    idx = jnp.minimum(offv + pos, _P - 17)
                    plsc.store_scatter(poolv, [idx], v, mask=mask)
                    offv = offv + plsc.all_reduce_population_count(mask)
                return offv

            offv = lax.fori_loop(0, _NCHUNK // 4, body,
                                 jnp.zeros((16,), jnp.int32))
            poolv[pl.ds(_K, 16)] = offv.astype(jnp.float32)
            pltpu.sync_copy(poolv, pool_hbm.at[r])

    return k(X, thr)


def _extract_loop(o_ref, st_ref, w_read, width):
    st_ref[:, 0:1] = jnp.full((_R, 1), jnp.inf, jnp.float32)
    st_ref[:, 1:5] = jnp.zeros((_R, 4), jnp.float32)
    st_ref[:, 5:6] = jnp.ones((_R, 1), jnp.float32)
    lane128 = lax.broadcasted_iota(jnp.int32, (_R, 128), 1)

    def cond(state):
        j, go = state
        return jnp.logical_and(j < width, go > 0)

    def body(state):
        j, _ = state
        t = st_ref[:, 0:1]
        c = st_ref[:, 1:2]
        cs = st_ref[:, 2:3]
        cs2 = st_ref[:, 3:4]
        tau_star = st_ref[:, 4:5]
        active = st_ref[:, 5:6]
        w = w_read()
        cnt_t = jnp.sum((w == t).astype(jnp.float32), axis=1, keepdims=True)
        m_next = jnp.max(jnp.where(w < t, w, -jnp.inf), axis=1, keepdims=True)
        emit_t = c < cnt_t
        m = jnp.where(emit_t, t, m_next)
        c = jnp.where(emit_t, c + 1.0, 1.0)
        rho = (j + 1).astype(jnp.float32)
        cs = cs + m
        cs2 = cs2 + m * m
        mean = cs / rho
        meansq = cs2 / rho
        arg = (1.0 - rho * (meansq - mean * mean)) / rho
        tau = mean - jnp.sqrt(arg)
        keep = jnp.logical_and(active > 0.0, tau <= m)
        keep_f = keep.astype(jnp.float32)
        tau_star = jnp.where(keep, tau, tau_star)
        base = pl.multiple_of((j // 128) * 128, 128)
        tile = o_ref[:, pl.ds(base, 128)]
        o_ref[:, pl.ds(base, 128)] = jnp.where(lane128 == (j - base), m, tile)
        st_ref[:, 0:1] = m
        st_ref[:, 1:2] = c
        st_ref[:, 2:3] = cs
        st_ref[:, 3:4] = cs2
        st_ref[:, 4:5] = tau_star
        st_ref[:, 5:6] = keep_f
        n_act = jnp.sum(keep_f)
        return (j + 1, (n_act > 0.0).astype(jnp.int32))

    j_end, _ = lax.while_loop(cond, body, (jnp.int32(0), jnp.int32(1)))
    return j_end


def _bitonic_sort_desc(a):
    lane = lax.broadcasted_iota(jnp.int32, (_R, _K), 1)
    k = 2
    while k <= _K:
        d = k // 2
        while d >= 1:
            right = pltpu.roll(a, _K - d, axis=1)
            left = pltpu.roll(a, d, axis=1)
            is_lower = (lane & d) == 0
            p = jnp.where(is_lower, right, left)
            db = (lane & k) == 0
            take_max = db == is_lower
            a = jnp.where(take_max, jnp.maximum(a, p), jnp.minimum(a, p))
            d //= 2
        k *= 2
    return a


def _final_body(x_ref, pool_ref, o_ref, s_ref, st_ref):
    count = pool_ref[:, _K:_K + 1]
    overflow = jnp.max(count) > float(_K)

    def fast():
        lane = lax.broadcasted_iota(jnp.int32, (_R, _K), 1)
        count_i = count.astype(jnp.int32)
        in_pool = lane < count_i
        a = jnp.where(in_pool, pool_ref[:, 0:_K] * 0.5, -jnp.inf)
        a = _bitonic_sort_desc(a)
        b = jnp.where(in_pool, a, 0.0)
        cs = b
        cs2 = b * b
        sh = 1
        while sh < _K:
            cs = cs + jnp.where(lane >= sh, pltpu.roll(cs, sh, axis=1), 0.0)
            cs2 = cs2 + jnp.where(lane >= sh, pltpu.roll(cs2, sh, axis=1), 0.0)
            sh *= 2
        rho = lane.astype(jnp.float32) + 1.0
        mean = cs / rho
        meansq = cs2 / rho
        arg = (1.0 - rho * (meansq - mean * mean)) / rho
        tau = mean - jnp.sqrt(arg)
        cond = jnp.logical_and(tau <= a, in_pool)
        kk = jnp.sum(cond.astype(jnp.int32), axis=1, keepdims=True)
        tau_star = jnp.sum(jnp.where(lane == kk - 1, tau, 0.0), axis=1,
                           keepdims=True)
        r = jnp.maximum(a - tau_star, 0.0)
        o_ref[:, 0:_K] = r * r
        o_ref[:, _K:_N] = jnp.zeros((_R, _N - _K), jnp.float32)

    def slow():
        s_ref[:] = x_ref[:] * 0.5
        j_end = _extract_loop(o_ref, st_ref, lambda: s_ref[:], _N)
        tau_star = st_ref[:, 4:5]
        col_id = lax.broadcasted_iota(jnp.int32, (_R, _N), 1)
        r = jnp.maximum(o_ref[:] - tau_star, 0.0)
        o_ref[:] = jnp.where(col_id < j_end, r * r, 0.0)

    lax.cond(overflow, slow, fast)


def kernel(X):
    thr = pl.pallas_call(
        _thr_body,
        out_shape=jax.ShapeDtypeStruct((_R, 1), jnp.float32),
        scratch_shapes=[pltpu.VMEM((_R, _N), jnp.float32)],
    )(X)
    pool = _sc_compact(X, thr.reshape(_R))
    return pl.pallas_call(
        _final_body,
        out_shape=jax.ShapeDtypeStruct((_R, _N), jnp.float32),
        scratch_shapes=[
            pltpu.VMEM((_R, _N), jnp.float32),
            pltpu.VMEM((_R, 8), jnp.float32),
        ],
    )(X, pool)

# --- scband reference (transcript-rebuilt; emitter-appended) ---
"""Pipeline reference for scband-exact-entmax15-53120155517191 (READ-ONLY COPY).

The authoritative reference and input builder live on the scoring server;
editing this copy changes nothing except your own understanding.
"""

import jax, jax.numpy as jnp
import numpy as np


def setup_inputs(seed: int = 0) -> dict:
    key = jax.random.key(seed)
    X = jax.random.normal(key, (64, 8192), dtype=jnp.float32)
    return {"X": X}


def reference(X):
    # Faithful translation of ExactEntmax15Function.forward with dim=-1.
    dim = -1
    n = X.shape[dim]
    # descending sort along dim
    s = -jnp.sort(-X, axis=dim)
    s = s / 2.0
    rho = jnp.arange(1, n + 1, dtype=X.dtype)  # broadcasts along last dim
    mean = jnp.cumsum(s, axis=dim) / rho
    mean_sq = jnp.cumsum(s ** 2, axis=dim) / rho
    tau = mean - jnp.sqrt((1.0 - rho * (mean_sq - mean ** 2)) / rho)
    support_size = jnp.sum(tau <= s, axis=dim, keepdims=True)
    tau_star = jnp.take_along_axis(tau, support_size - 1, axis=dim)
    res = jnp.maximum(s - tau_star, 0.0) ** 2
    return res

if __name__ == "__main__":
    import jax
    _d = setup_inputs()
    print(jax.jit(kernel)(*tuple(_d.values())))

</pallas_src>

<mosaic_0001>
#map = affine_map<(d0, d1) -> (0, 0)>
#map1 = affine_map<(d0, d1) -> (0)>
module attributes {stable_mosaic.version = 14 : i64} {
  func.func @k(%arg0: i32, %arg1: i32, %arg2: memref<64x8192xf32, #tpu.memory_space<hbm>>, %arg3: memref<64xf32, #tpu.memory_space<hbm>>, %arg4: memref<64x544xf32, #tpu.memory_space<hbm>>, %arg5: memref<8192xf32, #tpu.memory_space<vmem>>, %arg6: memref<544xf32, #tpu.memory_space<vmem>>, %arg7: memref<80xf32, #tpu.memory_space<vmem>>) attributes {dimension_semantics = [#tpu.dimension_semantics<core_parallel>, #tpu.dimension_semantics<subcore_parallel>], iteration_bounds = array<i64: 2, 16>, scalar_prefetch = 0 : i64, scratch_operands = 3 : i64, tpu.core_type = #tpu.core_type<sc_vector_subcore>, window_params = [{transform_indices = #map}, {transform_indices = #map1}, {transform_indices = #map}]} {
    %mul3A = arith.constant 2 : i32
    %mul3A_0 = arith.muli %arg1, %mul3A : i32
    %add3A = arith.addi %mul3A_0, %arg0 : i32
    "tpu.region"() ({
      %run_scoped3A = tpu.sem_alloc : memref<!tpu.dma_semaphore, #tpu.memory_space<semaphore_mem>>
      %dma_start3A = arith.constant 0 : i32
      %dma_start3A_32 = tpu.memref_slice %arg7[%dma_start3A] : memref<80xf32, #tpu.memory_space<vmem>> -> memref<64xf32, #tpu.memory_space<vmem>>
      %dma_start3A_33 = arith.constant 0 : i32
      %dma_start3A_34 = tpu.memref_slice %arg7[%dma_start3A_33] : memref<80xf32, #tpu.memory_space<vmem>> -> memref<64xf32, #tpu.memory_space<vmem>>
      tpu.enqueue_dma source(%arg3 : memref<64xf32, #tpu.memory_space<hbm>>) target(%dma_start3A_34 : memref<64xf32, #tpu.memory_space<vmem>>) target_semaphore(%run_scoped3A : memref<!tpu.dma_semaphore, #tpu.memory_space<semaphore_mem>>)
      %dma_wait3A = arith.constant 0 : i32
      %dma_wait3A_35 = tpu.memref_slice %arg7[%dma_wait3A] : memref<80xf32, #tpu.memory_space<vmem>> -> memref<64xf32, #tpu.memory_space<vmem>>
      %dma_wait3A_36 = arith.constant 0 : i32
      %dma_wait3A_37 = tpu.memref_slice %arg7[%dma_wait3A_36] : memref<80xf32, #tpu.memory_space<vmem>> -> memref<64xf32, #tpu.memory_space<vmem>>
      tpu.wait_dma2 semaphore(%run_scoped3A : memref<!tpu.dma_semaphore, #tpu.memory_space<semaphore_mem>>) src(%arg3 : memref<64xf32, #tpu.memory_space<hbm>>) dst(%dma_wait3A_37 : memref<64xf32, #tpu.memory_space<vmem>>)
      tpu.yield
    }) : () -> ()
    %mul3A_1 = arith.constant 2 : i32
    %mul3A_2 = arith.muli %add3A, %mul3A_1 : i32
    %add3A_3 = arith.constant 0 : i32
    %add3A_4 = arith.addi %mul3A_2, %add3A_3 : i32
    %get3A = arith.index_cast %add3A_4 : i32 to index
    %get3A_5 = tpu.vector_load %arg7[%get3A] {strides = array<i32>} : memref<80xf32, #tpu.memory_space<vmem>>, vector<16xf32>,
    %slice3A = vector.extract_strided_slice %get3A_5 {offsets = [0], sizes = [1], strides = [1]} : vector<16xf32> to vector<1xf32>
    %squeeze3A = vector.extract %slice3A[0] : f32 from vector<1xf32>
    "tpu.region"() ({
      %run_scoped3A = tpu.sem_alloc : memref<!tpu.dma_semaphore, #tpu.memory_space<semaphore_mem>>
      %dma_start3A = arith.constant 0 : i32
      %dma_start3A_32 = tpu.memref_slice %arg2[%add3A_4, %dma_start3A] : memref<64x8192xf32, #tpu.memory_space<hbm>> -> memref<1x8192xf32, #tpu.memory_space<hbm>>
      %dma_start3A_33 = tpu.memref_squeeze %dma_start3A_32 : memref<1x8192xf32, #tpu.memory_space<hbm>> -> memref<8192xf32, #tpu.memory_space<hbm>>
      %dma_start3A_34 = arith.constant 0 : i32
      %dma_start3A_35 = tpu.memref_slice %arg2[%add3A_4, %dma_start3A_34] : memref<64x8192xf32, #tpu.memory_space<hbm>> -> memref<1x8192xf32, #tpu.memory_space<hbm>>
      %dma_start3A_36 = tpu.memref_squeeze %dma_start3A_35 : memref<1x8192xf32, #tpu.memory_space<hbm>> -> memref<8192xf32, #tpu.memory_space<hbm>>
      tpu.enqueue_dma source(%dma_start3A_36 : memref<8192xf32, #tpu.memory_space<hbm>>) target(%arg5 : memref<8192xf32, #tpu.memory_space<vmem>>) target_semaphore(%run_scoped3A : memref<!tpu.dma_semaphore, #tpu.memory_space<semaphore_mem>>)
      %dma_wait3A = arith.constant 0 : i32
      %dma_wait3A_37 = tpu.memref_slice %arg2[%add3A_4, %dma_wait3A] : memref<64x8192xf32, #tpu.memory_space<hbm>> -> memref<1x8192xf32, #tpu.memory_space<hbm>>
      %dma_wait3A_38 = tpu.memref_squeeze %dma_wait3A_37 : memref<1x8192xf32, #tpu.memory_space<hbm>> -> memref<8192xf32, #tpu.memory_space<hbm>>
      %dma_wait3A_39 = arith.constant 0 : i32
      %dma_wait3A_40 = tpu.memref_slice %arg2[%add3A_4, %dma_wait3A_39] : memref<64x8192xf32, #tpu.memory_space<hbm>> -> memref<1x8192xf32, #tpu.memory_space<hbm>>
      %dma_wait3A_41 = tpu.memref_squeeze %dma_wait3A_40 : memref<1x8192xf32, #tpu.memory_space<hbm>> -> memref<8192xf32, #tpu.memory_space<hbm>>
      tpu.wait_dma2 semaphore(%run_scoped3A : memref<!tpu.dma_semaphore, #tpu.memory_space<semaphore_mem>>) src(%dma_wait3A_41 : memref<8192xf32, #tpu.memory_space<hbm>>) dst(%arg5 : memref<8192xf32, #tpu.memory_space<vmem>>)
      tpu.yield
    }) : () -> ()
    %broadcast_in_dim3A = arith.constant 0 : i32
    %broadcast_in_dim3A_6 = vector.broadcast %broadcast_in_dim3A : i32 to vector<16xi32>
    %scan3A = arith.constant 0 : i32
    %scan3A_7 = arith.constant 128 : i32
    %scan3A_8 = arith.addi %scan3A, %scan3A_7 : i32
    %scan3A_9 = arith.constant 1 : i32
    %scan3A_10 = scf.for %scan3A_32 = %scan3A to %scan3A_8 step %scan3A_9 iter_args(%scan3A_33 = %broadcast_in_dim3A_6) -> (vector<16xi32>)  : i32 {
      %mul3A_34 = arith.constant 4 : i32
      %mul3A_35 = arith.muli %scan3A_32, %mul3A_34 : i32
      %add3A_36 = arith.constant 0 : i32
      %add3A_37 = arith.addi %mul3A_35, %add3A_36 : i32
      %mul3A_38 = arith.constant 16 : i32
      %mul3A_39 = arith.muli %add3A_37, %mul3A_38 : i32
      %get3A_40 = arith.index_cast %mul3A_39 : i32 to index
      %get3A_41 = tpu.vector_load %arg5[%get3A_40] {strides = array<i32>} : memref<8192xf32, #tpu.memory_space<vmem>>, vector<16xf32>,
      %ge3A = vector.broadcast %squeeze3A : f32 to vector<16xf32>
      %ge3A_42 = arith.cmpf oge, %get3A_41, %ge3A : vector<16xf32>
      %convert_element_type3A_43 = arith.extui %ge3A_42 : vector<16xi1> to vector<16xi32>
      %broadcast_in_dim3A_44 = arith.constant true
      %broadcast_in_dim3A_45 = vector.broadcast %broadcast_in_dim3A_44 : i1 to vector<16xi1>
      %masked_cumsum3A = tpu.scan <sum>, %convert_element_type3A_43 masked %broadcast_in_dim3A_45 : vector<16xi32>, vector<16xi1> -> vector<16xi32>
      %sub3A = arith.subi %masked_cumsum3A, %convert_element_type3A_43 : vector<16xi32>
      %add3A_46 = arith.addi %scan3A_33, %sub3A : vector<16xi32>
      %min3A = arith.constant 527 : i32
      %min3A_47 = vector.broadcast %min3A : i32 to vector<16xi32>
      %min3A_48 = arith.minsi %add3A_46, %min3A_47 : vector<16xi32>
      tpu.vector_store_idx %arg6[%min3A_48], %get3A_41 masked %ge3A_42 : memref<544xf32, #tpu.memory_space<vmem>>[vector<16xi32>], vector<16xf32>, vector<16xi1>
      %all_reduce_population_count3A = tpu.all_reduce %ge3A_42 {dim = 0 : i64, kind = #tpu.reduction_kind<sum>} : vector<16xi1> -> vector<16xi32>
      %add3A_49 = arith.addi %scan3A_33, %all_reduce_population_count3A : vector<16xi32>
      %mul3A_50 = arith.constant 4 : i32
      %mul3A_51 = arith.muli %scan3A_32, %mul3A_50 : i32
      %add3A_52 = arith.constant 1 : i32
      %add3A_53 = arith.addi %mul3A_51, %add3A_52 : i32
      %mul3A_54 = arith.constant 16 : i32
      %mul3A_55 = arith.muli %add3A_53, %mul3A_54 : i32
      %get3A_56 = arith.index_cast %mul3A_55 : i32 to index
      %get3A_57 = tpu.vector_load %arg5[%get3A_56] {strides = array<i32>} : memref<8192xf32, #tpu.memory_space<vmem>>, vector<16xf32>,
      %ge3A_58 = vector.broadcast %squeeze3A : f32 to vector<16xf32>
      %ge3A_59 = arith.cmpf oge, %get3A_57, %ge3A_58 : vector<16xf32>
      %convert_element_type3A_60 = arith.extui %ge3A_59 : vector<16xi1> to vector<16xi32>
      %broadcast_in_dim3A_61 = arith.constant true
      %broadcast_in_dim3A_62 = vector.broadcast %broadcast_in_dim3A_61 : i1 to vector<16xi1>
      %masked_cumsum3A_63 = tpu.scan <sum>, %convert_element_type3A_60 masked %broadcast_in_dim3A_62 : vector<16xi32>, vector<16xi1> -> vector<16xi32>
      %sub3A_64 = arith.subi %masked_cumsum3A_63, %convert_element_type3A_60 : vector<16xi32>
      %add3A_65 = arith.addi %add3A_49, %sub3A_64 : vector<16xi32>
      %min3A_66 = arith.constant 527 : i32
      %min3A_67 = vector.broadcast %min3A_66 : i32 to vector<16xi32>
      %min3A_68 = arith.minsi %add3A_65, %min3A_67 : vector<16xi32>
      tpu.vector_store_idx %arg6[%min3A_68], %get3A_57 masked %ge3A_59 : memref<544xf32, #tpu.memory_space<vmem>>[vector<16xi32>], vector<16xf32>, vector<16xi1>
      %all_reduce_population_count3A_69 = tpu.all_reduce %ge3A_59 {dim = 0 : i64, kind = #tpu.reduction_kind<sum>} : vector<16xi1> -> vector<16xi32>
      %add3A_70 = arith.addi %add3A_49, %all_reduce_population_count3A_69 : vector<16xi32>
      %mul3A_71 = arith.constant 4 : i32
      %mul3A_72 = arith.muli %scan3A_32, %mul3A_71 : i32
      %add3A_73 = arith.constant 2 : i32
      %add3A_74 = arith.addi %mul3A_72, %add3A_73 : i32
      %mul3A_75 = arith.constant 16 : i32
      %mul3A_76 = arith.muli %add3A_74, %mul3A_75 : i32
      %get3A_77 = arith.index_cast %mul3A_76 : i32 to index
      %get3A_78 = tpu.vector_load %arg5[%get3A_77] {strides = array<i32>} : memref<8192xf32, #tpu.memory_space<vmem>>, vector<16xf32>,
      %ge3A_79 = vector.broadcast %squeeze3A : f32 to vector<16xf32>
      %ge3A_80 = arith.cmpf oge, %get3A_78, %ge3A_79 : vector<16xf32>
      %convert_element_type3A_81 = arith.extui %ge3A_80 : vector<16xi1> to vector<16xi32>
      %broadcast_in_dim3A_82 = arith.constant true
      %broadcast_in_dim3A_83 = vector.broadcast %broadcast_in_dim3A_82 : i1 to vector<16xi1>
      %masked_cumsum3A_84 = tpu.scan <sum>, %convert_element_type3A_81 masked %broadcast_in_dim3A_83 : vector<16xi32>, vector<16xi1> -> vector<16xi32>
      %sub3A_85 = arith.subi %masked_cumsum3A_84, %convert_element_type3A_81 : vector<16xi32>
      %add3A_86 = arith.addi %add3A_70, %sub3A_85 : vector<16xi32>
      %min3A_87 = arith.constant 527 : i32
      %min3A_88 = vector.broadcast %min3A_87 : i32 to vector<16xi32>
      %min3A_89 = arith.minsi %add3A_86, %min3A_88 : vector<16xi32>
      tpu.vector_store_idx %arg6[%min3A_89], %get3A_78 masked %ge3A_80 : memref<544xf32, #tpu.memory_space<vmem>>[vector<16xi32>], vector<16xf32>, vector<16xi1>
      %all_reduce_population_count3A_90 = tpu.all_reduce %ge3A_80 {dim = 0 : i64, kind = #tpu.reduction_kind<sum>} : vector<16xi1> -> vector<16xi32>
      %add3A_91 = arith.addi %add3A_70, %all_reduce_population_count3A_90 : vector<16xi32>
      %mul3A_92 = arith.constant 4 : i32
      %mul3A_93 = arith.muli %scan3A_32, %mul3A_92 : i32
      %add3A_94 = arith.constant 3 : i32
      %add3A_95 = arith.addi %mul3A_93, %add3A_94 : i32
      %mul3A_96 = arith.constant 16 : i32
      %mul3A_97 = arith.muli %add3A_95, %mul3A_96 : i32
      %get3A_98 = arith.index_cast %mul3A_97 : i32 to index
      %get3A_99 = tpu.vector_load %arg5[%get3A_98] {strides = array<i32>} : memref<8192xf32, #tpu.memory_space<vmem>>, vector<16xf32>,
      %ge3A_100 = vector.broadcast %squeeze3A : f32 to vector<16xf32>
      %ge3A_101 = arith.cmpf oge, %get3A_99, %ge3A_100 : vector<16xf32>
      %convert_element_type3A_102 = arith.extui %ge3A_101 : vector<16xi1> to vector<16xi32>
      %broadcast_in_dim3A_103 = arith.constant true
      %broadcast_in_dim3A_104 = vector.broadcast %broadcast_in_dim3A_103 : i1 to vector<16xi1>
      %masked_cumsum3A_105 = tpu.scan <sum>, %convert_element_type3A_102 masked %broadcast_in_dim3A_104 : vector<16xi32>, vector<16xi1> -> vector<16xi32>
      %sub3A_106 = arith.subi %masked_cumsum3A_105, %convert_element_type3A_102 : vector<16xi32>
      %add3A_107 = arith.addi %add3A_91, %sub3A_106 : vector<16xi32>
      %min3A_108 = arith.constant 527 : i32
      %min3A_109 = vector.broadcast %min3A_108 : i32 to vector<16xi32>
      %min3A_110 = arith.minsi %add3A_107, %min3A_109 : vector<16xi32>
      tpu.vector_store_idx %arg6[%min3A_110], %get3A_99 masked %ge3A_101 : memref<544xf32, #tpu.memory_space<vmem>>[vector<16xi32>], vector<16xf32>, vector<16xi1>
      %all_reduce_population_count3A_111 = tpu.all_reduce %ge3A_101 {dim = 0 : i64, kind = #tpu.reduction_kind<sum>} : vector<16xi1> -> vector<16xi32>
      %add3A_112 = arith.addi %add3A_91, %all_reduce_population_count3A_111 : vector<16xi32>
      scf.yield %add3A_112 : vector<16xi32>
    }
    %scan3A_11 = arith.constant 128 : i32
    %convert_element_type3A = arith.sitofp %scan3A_10 : vector<16xi32> to vector<16xf32>
    %swap3A = arith.constant 512 : index
    %swap3A_12 = tpu.vector_load %arg6[%swap3A] {strides = array<i32>} : memref<544xf32, #tpu.memory_space<vmem>>, vector<16xf32>,
    tpu.vector_store %arg6[%swap3A], %convert_element_type3A {strides = array<i32>} : memref<544xf32, #tpu.memory_space<vmem>>, vector<16xf32>,
    "tpu.region"() ({
      %run_scoped3A = tpu.sem_alloc : memref<!tpu.dma_semaphore, #tpu.memory_space<semaphore_mem>>
      %dma_start3A = arith.constant 0 : i32
      %dma_start3A_32 = tpu.memref_slice %arg4[%add3A_4, %dma_start3A] : memref<64x544xf32, #tpu.memory_space<hbm>> -> memref<1x544xf32, #tpu.memory_space<hbm>>
      %dma_start3A_33 = tpu.memref_squeeze %dma_start3A_32 : memref<1x544xf32, #tpu.memory_space<hbm>> -> memref<544xf32, #tpu.memory_space<hbm>>
      %dma_start3A_34 = arith.constant 0 : i32
      %dma_start3A_35 = tpu.memref_slice %arg4[%add3A_4, %dma_start3A_34] : memref<64x544xf32, #tpu.memory_space<hbm>> -> memref<1x544xf32, #tpu.memory_space<hbm>>
      %dma_start3A_36 = tpu.memref_squeeze %dma_start3A_35 : memref<1x544xf32, #tpu.memory_space<hbm>> -> memref<544xf32, #tpu.memory_space<hbm>>
      tpu.enqueue_dma source(%arg6 : memref<544xf32, #tpu.memory_space<vmem>>) target(%dma_start3A_36 : memref<544xf32, #tpu.memory_space<hbm>>) target_semaphore(%run_scoped3A : memref<!tpu.dma_semaphore, #tpu.memory_space<semaphore_mem>>)
      %dma_wait3A = arith.constant 0 : i32
      %dma_wait3A_37 = tpu.memref_slice %arg4[%add3A_4, %dma_wait3A] : memref<64x544xf32, #tpu.memory_space<hbm>> -> memref<1x544xf32, #tpu.memory_space<hbm>>
      %dma_wait3A_38 = tpu.memref_squeeze %dma_wait3A_37 : memref<1x544xf32, #tpu.memory_space<hbm>> -> memref<544xf32, #tpu.memory_space<hbm>>
      %dma_wait3A_39 = arith.constant 0 : i32
      %dma_wait3A_40 = tpu.memref_slice %arg4[%add3A_4, %dma_wait3A_39] : memref<64x544xf32, #tpu.memory_space<hbm>> -> memref<1x544xf32, #tpu.memory_space<hbm>>
      %dma_wait3A_41 = tpu.memref_squeeze %dma_wait3A_40 : memref<1x544xf32, #tpu.memory_space<hbm>> -> memref<544xf32, #tpu.memory_space<hbm>>
      tpu.wait_dma2 semaphore(%run_scoped3A : memref<!tpu.dma_semaphore, #tpu.memory_space<semaphore_mem>>) src(%arg6 : memref<544xf32, #tpu.memory_space<vmem>>) dst(%dma_wait3A_41 : memref<544xf32, #tpu.memory_space<hbm>>)
      tpu.yield
    }) : () -> ()
    %mul3A_13 = arith.constant 2 : i32
    %mul3A_14 = arith.muli %add3A, %mul3A_13 : i32
    %add3A_15 = arith.constant 1 : i32
    %add3A_16 = arith.addi %mul3A_14, %add3A_15 : i32
    %get3A_17 = arith.index_cast %add3A_16 : i32 to index
    %get3A_18 = tpu.vector_load %arg7[%get3A_17] {strides = array<i32>} : memref<80xf32, #tpu.memory_space<vmem>>, vector<16xf32>,
    %slice3A_19 = vector.extract_strided_slice %get3A_18 {offsets = [0], sizes = [1], strides = [1]} : vector<16xf32> to vector<1xf32>
    %squeeze3A_20 = vector.extract %slice3A_19[0] : f32 from vector<1xf32>
    "tpu.region"() ({
      %run_scoped3A = tpu.sem_alloc : memref<!tpu.dma_semaphore, #tpu.memory_space<semaphore_mem>>
      %dma_start3A = arith.constant 0 : i32
      %dma_start3A_32 = tpu.memref_slice %arg2[%add3A_16, %dma_start3A] : memref<64x8192xf32, #tpu.memory_space<hbm>> -> memref<1x8192xf32, #tpu.memory_space<hbm>>
      %dma_start3A_33 = tpu.memref_squeeze %dma_start3A_32 : memref<1x8192xf32, #tpu.memory_space<hbm>> -> memref<8192xf32, #tpu.memory_space<hbm>>
      %dma_start3A_34 = arith.constant 0 : i32
      %dma_start3A_35 = tpu.memref_slice %arg2[%add3A_16, %dma_start3A_34] : memref<64x8192xf32, #tpu.memory_space<hbm>> -> memref<1x8192xf32, #tpu.memory_space<hbm>>
      %dma_start3A_36 = tpu.memref_squeeze %dma_start3A_35 : memref<1x8192xf32, #tpu.memory_space<hbm>> -> memref<8192xf32, #tpu.memory_space<hbm>>
      tpu.enqueue_dma source(%dma_start3A_36 : memref<8192xf32, #tpu.memory_space<hbm>>) target(%arg5 : memref<8192xf32, #tpu.memory_space<vmem>>) target_semaphore(%run_scoped3A : memref<!tpu.dma_semaphore, #tpu.memory_space<semaphore_mem>>)
      %dma_wait3A = arith.constant 0 : i32
      %dma_wait3A_37 = tpu.memref_slice %arg2[%add3A_16, %dma_wait3A] : memref<64x8192xf32, #tpu.memory_space<hbm>> -> memref<1x8192xf32, #tpu.memory_space<hbm>>
      %dma_wait3A_38 = tpu.memref_squeeze %dma_wait3A_37 : memref<1x8192xf32, #tpu.memory_space<hbm>> -> memref<8192xf32, #tpu.memory_space<hbm>>
      %dma_wait3A_39 = arith.constant 0 : i32
      %dma_wait3A_40 = tpu.memref_slice %arg2[%add3A_16, %dma_wait3A_39] : memref<64x8192xf32, #tpu.memory_space<hbm>> -> memref<1x8192xf32, #tpu.memory_space<hbm>>
      %dma_wait3A_41 = tpu.memref_squeeze %dma_wait3A_40 : memref<1x8192xf32, #tpu.memory_space<hbm>> -> memref<8192xf32, #tpu.memory_space<hbm>>
      tpu.wait_dma2 semaphore(%run_scoped3A : memref<!tpu.dma_semaphore, #tpu.memory_space<semaphore_mem>>) src(%dma_wait3A_41 : memref<8192xf32, #tpu.memory_space<hbm>>) dst(%arg5 : memref<8192xf32, #tpu.memory_space<vmem>>)
      tpu.yield
    }) : () -> ()
    %broadcast_in_dim3A_21 = arith.constant 0 : i32
    %broadcast_in_dim3A_22 = vector.broadcast %broadcast_in_dim3A_21 : i32 to vector<16xi32>
    %scan3A_23 = arith.constant 0 : i32
    %scan3A_24 = arith.constant 128 : i32
    %scan3A_25 = arith.addi %scan3A_23, %scan3A_24 : i32
    %scan3A_26 = arith.constant 1 : i32
    %scan3A_27 = scf.for %scan3A_32 = %scan3A_23 to %scan3A_25 step %scan3A_26 iter_args(%scan3A_33 = %broadcast_in_dim3A_22) -> (vector<16xi32>)  : i32 {
      %mul3A_34 = arith.constant 4 : i32
      %mul3A_35 = arith.muli %scan3A_32, %mul3A_34 : i32
      %add3A_36 = arith.constant 0 : i32
      %add3A_37 = arith.addi %mul3A_35, %add3A_36 : i32
      %mul3A_38 = arith.constant 16 : i32
      %mul3A_39 = arith.muli %add3A_37, %mul3A_38 : i32
      %get3A_40 = arith.index_cast %mul3A_39 : i32 to index
      %get3A_41 = tpu.vector_load %arg5[%get3A_40] {strides = array<i32>} : memref<8192xf32, #tpu.memory_space<vmem>>, vector<16xf32>,
      %ge3A = vector.broadcast %squeeze3A_20 : f32 to vector<16xf32>
      %ge3A_42 = arith.cmpf oge, %get3A_41, %ge3A : vector<16xf32>
      %convert_element_type3A_43 = arith.extui %ge3A_42 : vector<16xi1> to vector<16xi32>
      %broadcast_in_dim3A_44 = arith.constant true
      %broadcast_in_dim3A_45 = vector.broadcast %broadcast_in_dim3A_44 : i1 to vector<16xi1>
      %masked_cumsum3A = tpu.scan <sum>, %convert_element_type3A_43 masked %broadcast_in_dim3A_45 : vector<16xi32>, vector<16xi1> -> vector<16xi32>
      %sub3A = arith.subi %masked_cumsum3A, %convert_element_type3A_43 : vector<16xi32>
      %add3A_46 = arith.addi %scan3A_33, %sub3A : vector<16xi32>
      %min3A = arith.constant 527 : i32
      %min3A_47 = vector.broadcast %min3A : i32 to vector<16xi32>
      %min3A_48 = arith.minsi %add3A_46, %min3A_47 : vector<16xi32>
      tpu.vector_store_idx %arg6[%min3A_48], %get3A_41 masked %ge3A_42 : memref<544xf32, #tpu.memory_space<vmem>>[vector<16xi32>], vector<16xf32>, vector<16xi1>
      %all_reduce_population_count3A = tpu.all_reduce %ge3A_42 {dim = 0 : i64, kind = #tpu.reduction_kind<sum>} : vector<16xi1> -> vector<16xi32>
      %add3A_49 = arith.addi %scan3A_33, %all_reduce_population_count3A : vector<16xi32>
      %mul3A_50 = arith.constant 4 : i32
      %mul3A_51 = arith.muli %scan3A_32, %mul3A_50 : i32
      %add3A_52 = arith.constant 1 : i32
      %add3A_53 = arith.addi %mul3A_51, %add3A_52 : i32
      %mul3A_54 = arith.constant 16 : i32
      %mul3A_55 = arith.muli %add3A_53, %mul3A_54 : i32
      %get3A_56 = arith.index_cast %mul3A_55 : i32 to index
      %get3A_57 = tpu.vector_load %arg5[%get3A_56] {strides = array<i32>} : memref<8192xf32, #tpu.memory_space<vmem>>, vector<16xf32>,
      %ge3A_58 = vector.broadcast %squeeze3A_20 : f32 to vector<16xf32>
      %ge3A_59 = arith.cmpf oge, %get3A_57, %ge3A_58 : vector<16xf32>
      %convert_element_type3A_60 = arith.extui %ge3A_59 : vector<16xi1> to vector<16xi32>
      %broadcast_in_dim3A_61 = arith.constant true
      %broadcast_in_dim3A_62 = vector.broadcast %broadcast_in_dim3A_61 : i1 to vector<16xi1>
      %masked_cumsum3A_63 = tpu.scan <sum>, %convert_element_type3A_60 masked %broadcast_in_dim3A_62 : vector<16xi32>, vector<16xi1> -> vector<16xi32>
      %sub3A_64 = arith.subi %masked_cumsum3A_63, %convert_element_type3A_60 : vector<16xi32>
      %add3A_65 = arith.addi %add3A_49, %sub3A_64 : vector<16xi32>
      %min3A_66 = arith.constant 527 : i32
      %min3A_67 = vector.broadcast %min3A_66 : i32 to vector<16xi32>
      %min3A_68 = arith.minsi %add3A_65, %min3A_67 : vector<16xi32>
      tpu.vector_store_idx %arg6[%min3A_68], %get3A_57 masked %ge3A_59 : memref<544xf32, #tpu.memory_space<vmem>>[vector<16xi32>], vector<16xf32>, vector<16xi1>
      %all_reduce_population_count3A_69 = tpu.all_reduce %ge3A_59 {dim = 0 : i64, kind = #tpu.reduction_kind<sum>} : vector<16xi1> -> vector<16xi32>
      %add3A_70 = arith.addi %add3A_49, %all_reduce_population_count3A_69 : vector<16xi32>
      %mul3A_71 = arith.constant 4 : i32
      %mul3A_72 = arith.muli %scan3A_32, %mul3A_71 : i32
      %add3A_73 = arith.constant 2 : i32
      %add3A_74 = arith.addi %mul3A_72, %add3A_73 : i32
      %mul3A_75 = arith.constant 16 : i32
      %mul3A_76 = arith.muli %add3A_74, %mul3A_75 : i32
      %get3A_77 = arith.index_cast %mul3A_76 : i32 to index
      %get3A_78 = tpu.vector_load %arg5[%get3A_77] {strides = array<i32>} : memref<8192xf32, #tpu.memory_space<vmem>>, vector<16xf32>,
      %ge3A_79 = vector.broadcast %squeeze3A_20 : f32 to vector<16xf32>
      %ge3A_80 = arith.cmpf oge, %get3A_78, %ge3A_79 : vector<16xf32>
      %convert_element_type3A_81 = arith.extui %ge3A_80 : vector<16xi1> to vector<16xi32>
      %broadcast_in_dim3A_82 = arith.constant true
      %broadcast_in_dim3A_83 = vector.broadcast %broadcast_in_dim3A_82 : i1 to vector<16xi1>
      %masked_cumsum3A_84 = tpu.scan <sum>, %convert_element_type3A_81 masked %broadcast_in_dim3A_83 : vector<16xi32>, vector<16xi1> -> vector<16xi32>
      %sub3A_85 = arith.subi %masked_cumsum3A_84, %convert_element_type3A_81 : vector<16xi32>
      %add3A_86 = arith.addi %add3A_70, %sub3A_85 : vector<16xi32>
      %min3A_87 = arith.constant 527 : i32
      %min3A_88 = vector.broadcast %min3A_87 : i32 to vector<16xi32>
      %min3A_89 = arith.minsi %add3A_86, %min3A_88 : vector<16xi32>
      tpu.vector_store_idx %arg6[%min3A_89], %get3A_78 masked %ge3A_80 : memref<544xf32, #tpu.memory_space<vmem>>[vector<16xi32>], vector<16xf32>, vector<16xi1>
      %all_reduce_population_count3A_90 = tpu.all_reduce %ge3A_80 {dim = 0 : i64, kind = #tpu.reduction_kind<sum>} : vector<16xi1> -> vector<16xi32>
      %add3A_91 = arith.addi %add3A_70, %all_reduce_population_count3A_90 : vector<16xi32>
      %mul3A_92 = arith.constant 4 : i32
      %mul3A_93 = arith.muli %scan3A_32, %mul3A_92 : i32
      %add3A_94 = arith.constant 3 : i32
      %add3A_95 = arith.addi %mul3A_93, %add3A_94 : i32
      %mul3A_96 = arith.constant 16 : i32
      %mul3A_97 = arith.muli %add3A_95, %mul3A_96 : i32
      %get3A_98 = arith.index_cast %mul3A_97 : i32 to index
      %get3A_99 = tpu.vector_load %arg5[%get3A_98] {strides = array<i32>} : memref<8192xf32, #tpu.memory_space<vmem>>, vector<16xf32>,
      %ge3A_100 = vector.broadcast %squeeze3A_20 : f32 to vector<16xf32>
      %ge3A_101 = arith.cmpf oge, %get3A_99, %ge3A_100 : vector<16xf32>
      %convert_element_type3A_102 = arith.extui %ge3A_101 : vector<16xi1> to vector<16xi32>
      %broadcast_in_dim3A_103 = arith.constant true
      %broadcast_in_dim3A_104 = vector.broadcast %broadcast_in_dim3A_103 : i1 to vector<16xi1>
      %masked_cumsum3A_105 = tpu.scan <sum>, %convert_element_type3A_102 masked %broadcast_in_dim3A_104 : vector<16xi32>, vector<16xi1> -> vector<16xi32>
      %sub3A_106 = arith.subi %masked_cumsum3A_105, %convert_element_type3A_102 : vector<16xi32>
      %add3A_107 = arith.addi %add3A_91, %sub3A_106 : vector<16xi32>
      %min3A_108 = arith.constant 527 : i32
      %min3A_109 = vector.broadcast %min3A_108 : i32 to vector<16xi32>
      %min3A_110 = arith.minsi %add3A_107, %min3A_109 : vector<16xi32>
      tpu.vector_store_idx %arg6[%min3A_110], %get3A_99 masked %ge3A_101 : memref<544xf32, #tpu.memory_space<vmem>>[vector<16xi32>], vector<16xf32>, vector<16xi1>
      %all_reduce_population_count3A_111 = tpu.all_reduce %ge3A_101 {dim = 0 : i64, kind = #tpu.reduction_kind<sum>} : vector<16xi1> -> vector<16xi32>
      %add3A_112 = arith.addi %add3A_91, %all_reduce_population_count3A_111 : vector<16xi32>
      scf.yield %add3A_112 : vector<16xi32>
    }
    %scan3A_28 = arith.constant 128 : i32
    %convert_element_type3A_29 = arith.sitofp %scan3A_27 : vector<16xi32> to vector<16xf32>
    %swap3A_30 = arith.constant 512 : index
    %swap3A_31 = tpu.vector_load %arg6[%swap3A_30] {strides = array<i32>} : memref<544xf32, #tpu.memory_space<vmem>>, vector<16xf32>,
    tpu.vector_store %arg6[%swap3A_30], %convert_element_type3A_29 {strides = array<i32>} : memref<544xf32, #tpu.memory_space<vmem>>, vector<16xf32>,
    "tpu.region"() ({
      %run_scoped3A = tpu.sem_alloc : memref<!tpu.dma_semaphore, #tpu.memory_space<semaphore_mem>>
      %dma_start3A = arith.constant 0 : i32
      %dma_start3A_32 = tpu.memref_slice %arg4[%add3A_16, %dma_start3A] : memref<64x544xf32, #tpu.memory_space<hbm>> -> memref<1x544xf32, #tpu.memory_space<hbm>>
      %dma_start3A_33 = tpu.memref_squeeze %dma_start3A_32 : memref<1x544xf32, #tpu.memory_space<hbm>> -> memref<544xf32, #tpu.memory_space<hbm>>
      %dma_start3A_34 = arith.constant 0 : i32
      %dma_start3A_35 = tpu.memref_slice %arg4[%add3A_16, %dma_start3A_34] : memref<64x544xf32, #tpu.memory_space<hbm>> -> memref<1x544xf32, #tpu.memory_space<hbm>>
      %dma_start3A_36 = tpu.memref_squeeze %dma_start3A_35 : memref<1x544xf32, #tpu.memory_space<hbm>> -> memref<544xf32, #tpu.memory_space<hbm>>
      tpu.enqueue_dma source(%arg6 : memref<544xf32, #tpu.memory_space<vmem>>) target(%dma_start3A_36 : memref<544xf32, #tpu.memory_space<hbm>>) target_semaphore(%run_scoped3A : memref<!tpu.dma_semaphore, #tpu.memory_space<semaphore_mem>>)
      %dma_wait3A = arith.constant 0 : i32
      %dma_wait3A_37 = tpu.memref_slice %arg4[%add3A_16, %dma_wait3A] : memref<64x544xf32, #tpu.memory_space<hbm>> -> memref<1x544xf32, #tpu.memory_space<hbm>>
      %dma_wait3A_38 = tpu.memref_squeeze %dma_wait3A_37 : memref<1x544xf32, #tpu.memory_space<hbm>> -> memref<544xf32, #tpu.memory_space<hbm>>
      %dma_wait3A_39 = arith.constant 0 : i32
      %dma_wait3A_40 = tpu.memref_slice %arg4[%add3A_16, %dma_wait3A_39] : memref<64x544xf32, #tpu.memory_space<hbm>> -> memref<1x544xf32, #tpu.memory_space<hbm>>
      %dma_wait3A_41 = tpu.memref_squeeze %dma_wait3A_40 : memref<1x544xf32, #tpu.memory_space<hbm>> -> memref<544xf32, #tpu.memory_space<hbm>>
      tpu.wait_dma2 semaphore(%run_scoped3A : memref<!tpu.dma_semaphore, #tpu.memory_space<semaphore_mem>>) src(%arg6 : memref<544xf32, #tpu.memory_space<vmem>>) dst(%dma_wait3A_41 : memref<544xf32, #tpu.memory_space<hbm>>)
      tpu.yield
    }) : () -> ()
    return
  }
}

module attributes {stable_mosaic.version = 14 : i64} {
  func.func @_thr_body(%arg0: memref<64x8192xf32, #tpu.memory_space<vmem>>, %arg1: memref<64x1xf32, #tpu.memory_space<vmem>>, %arg2: memref<64x8192xf32, #tpu.memory_space<vmem>>) attributes {dimension_semantics = [], scalar_prefetch = 0 : i64, scratch_operands = 1 : i64, tpu.core_type = #tpu.core_type<tc>} {
    %get3A = arith.constant 0 : index
    %get3A_0 = arith.constant 0 : index
    %get3A_1 = vector.load %arg0[%get3A, %get3A_0] : memref<64x8192xf32, #tpu.memory_space<vmem>>, vector<64x8192xf32>
    %mul3A = arith.constant 5.000000e-01 : f32
    %mul3A_2 = vector.broadcast %mul3A : f32 to vector<64x8192xf32>
    %mul3A_3 = arith.mulf %get3A_1, %mul3A_2 : vector<64x8192xf32>
    %swap3A = arith.constant 0 : index
    %swap3A_4 = arith.constant 0 : index
    %swap3A_5 = vector.load %arg2[%swap3A, %swap3A_4] : memref<64x8192xf32, #tpu.memory_space<vmem>>, vector<64x8192xf32>
    tpu.vector_store %arg2[%swap3A, %swap3A_4], %mul3A_3 {strides = array<i32>} : memref<64x8192xf32, #tpu.memory_space<vmem>>, vector<64x8192xf32>,
    %get3A_6 = arith.constant 0 : index
    %get3A_7 = arith.constant 0 : index
    %get3A_8 = vector.load %arg2[%get3A_6, %get3A_7] : memref<64x8192xf32, #tpu.memory_space<vmem>>, vector<64x8192xf32>
    %reduce_max3A = arith.constant dense<0xFF800000> : vector<64xf32>
    %reduce_max3A_9 = vector.multi_reduction <maximumf>, %get3A_8, %reduce_max3A [1] : vector<64x8192xf32> to vector<64xf32>
    %broadcast_in_dim3A = vector.shape_cast %reduce_max3A_9 : vector<64xf32> to vector<64x1xf32>
    %sub3A = arith.constant 1.000000e+00 : f32
    %sub3A_10 = vector.broadcast %sub3A : f32 to vector<64x1xf32>
    %sub3A_11 = arith.subf %broadcast_in_dim3A, %sub3A_10 : vector<64x1xf32>
    %sub3A_12 = vector.broadcast %sub3A_11 : vector<64x1xf32> to vector<64x8192xf32>
    %sub3A_13 = arith.subf %get3A_8, %sub3A_12 : vector<64x8192xf32>
    %max3A = arith.constant 0.000000e+00 : f32
    %max3A_14 = vector.broadcast %max3A : f32 to vector<64x8192xf32>
    %max3A_15 = arith.maximumf %sub3A_13, %max3A_14 : vector<64x8192xf32>
    %mul3A_16 = arith.mulf %max3A_15, %max3A_15 : vector<64x8192xf32>
    %reduce_sum3A = arith.constant dense<0.000000e+00> : vector<64xf32>
    %reduce_sum3A_17 = vector.multi_reduction <add>, %mul3A_16, %reduce_sum3A [1] : vector<64x8192xf32> to vector<64xf32>
    %broadcast_in_dim3A_18 = vector.shape_cast %reduce_sum3A_17 : vector<64xf32> to vector<64x1xf32>
    %sub3A_19 = arith.constant 1.000000e+00 : f32
    %sub3A_20 = vector.broadcast %sub3A_19 : f32 to vector<64x1xf32>
    %sub3A_21 = arith.subf %broadcast_in_dim3A_18, %sub3A_20 : vector<64x1xf32>
    %reduce_sum3A_22 = arith.constant dense<0.000000e+00> : vector<64xf32>
    %reduce_sum3A_23 = vector.multi_reduction <add>, %max3A_15, %reduce_sum3A_22 [1] : vector<64x8192xf32> to vector<64xf32>
    %broadcast_in_dim3A_24 = vector.shape_cast %reduce_sum3A_23 : vector<64xf32> to vector<64x1xf32>
    %mul3A_25 = arith.constant 2.000000e+00 : f32
    %mul3A_26 = vector.broadcast %mul3A_25 : f32 to vector<64x1xf32>
    %mul3A_27 = arith.mulf %mul3A_26, %broadcast_in_dim3A_24 : vector<64x1xf32>
    %div3A = arith.divf %sub3A_21, %mul3A_27 : vector<64x1xf32>
    %add3A = arith.addf %sub3A_11, %div3A : vector<64x1xf32>
    %sub3A_28 = vector.broadcast %add3A : vector<64x1xf32> to vector<64x8192xf32>
    %sub3A_29 = arith.subf %get3A_8, %sub3A_28 : vector<64x8192xf32>
    %max3A_30 = arith.constant 0.000000e+00 : f32
    %max3A_31 = vector.broadcast %max3A_30 : f32 to vector<64x8192xf32>
    %max3A_32 = arith.maximumf %sub3A_29, %max3A_31 : vector<64x8192xf32>
    %mul3A_33 = arith.mulf %max3A_32, %max3A_32 : vector<64x8192xf32>
    %reduce_sum3A_34 = arith.constant dense<0.000000e+00> : vector<64xf32>
    %reduce_sum3A_35 = vector.multi_reduction <add>, %mul3A_33, %reduce_sum3A_34 [1] : vector<64x8192xf32> to vector<64xf32>
    %broadcast_in_dim3A_36 = vector.shape_cast %reduce_sum3A_35 : vector<64xf32> to vector<64x1xf32>
    %sub3A_37 = arith.constant 1.000000e+00 : f32
    %sub3A_38 = vector.broadcast %sub3A_37 : f32 to vector<64x1xf32>
    %sub3A_39 = arith.subf %broadcast_in_dim3A_36, %sub3A_38 : vector<64x1xf32>
    %reduce_sum3A_40 = arith.constant dense<0.000000e+00> : vector<64xf32>
    %reduce_sum3A_41 = vector.multi_reduction <add>, %max3A_32, %reduce_sum3A_40 [1] : vector<64x8192xf32> to vector<64xf32>
    %broadcast_in_dim3A_42 = vector.shape_cast %reduce_sum3A_41 : vector<64xf32> to vector<64x1xf32>
    %mul3A_43 = arith.constant 2.000000e+00 : f32
    %mul3A_44 = vector.broadcast %mul3A_43 : f32 to vector<64x1xf32>
    %mul3A_45 = arith.mulf %mul3A_44, %broadcast_in_dim3A_42 : vector<64x1xf32>
    %div3A_46 = arith.divf %sub3A_39, %mul3A_45 : vector<64x1xf32>
    %add3A_47 = arith.addf %add3A, %div3A_46 : vector<64x1xf32>
    %sub3A_48 = vector.broadcast %add3A_47 : vector<64x1xf32> to vector<64x8192xf32>
    %sub3A_49 = arith.subf %get3A_8, %sub3A_48 : vector<64x8192xf32>
    %max3A_50 = arith.constant 0.000000e+00 : f32
    %max3A_51 = vector.broadcast %max3A_50 : f32 to vector<64x8192xf32>
    %max3A_52 = arith.maximumf %sub3A_49, %max3A_51 : vector<64x8192xf32>
    %mul3A_53 = arith.mulf %max3A_52, %max3A_52 : vector<64x8192xf32>
    %reduce_sum3A_54 = arith.constant dense<0.000000e+00> : vector<64xf32>
    %reduce_sum3A_55 = vector.multi_reduction <add>, %mul3A_53, %reduce_sum3A_54 [1] : vector<64x8192xf32> to vector<64xf32>
    %broadcast_in_dim3A_56 = vector.shape_cast %reduce_sum3A_55 : vector<64xf32> to vector<64x1xf32>
    %sub3A_57 = arith.constant 1.000000e+00 : f32
    %sub3A_58 = vector.broadcast %sub3A_57 : f32 to vector<64x1xf32>
    %sub3A_59 = arith.subf %broadcast_in_dim3A_56, %sub3A_58 : vector<64x1xf32>
    %reduce_sum3A_60 = arith.constant dense<0.000000e+00> : vector<64xf32>
    %reduce_sum3A_61 = vector.multi_reduction <add>, %max3A_52, %reduce_sum3A_60 [1] : vector<64x8192xf32> to vector<64xf32>
    %broadcast_in_dim3A_62 = vector.shape_cast %reduce_sum3A_61 : vector<64xf32> to vector<64x1xf32>
    %mul3A_63 = arith.constant 2.000000e+00 : f32
    %mul3A_64 = vector.broadcast %mul3A_63 : f32 to vector<64x1xf32>
    %mul3A_65 = arith.mulf %mul3A_64, %broadcast_in_dim3A_62 : vector<64x1xf32>
    %div3A_66 = arith.divf %sub3A_59, %mul3A_65 : vector<64x1xf32>
    %add3A_67 = arith.addf %add3A_47, %div3A_66 : vector<64x1xf32>
    %sub3A_68 = vector.broadcast %add3A_67 : vector<64x1xf32> to vector<64x8192xf32>
    %sub3A_69 = arith.subf %get3A_8, %sub3A_68 : vector<64x8192xf32>
    %max3A_70 = arith.constant 0.000000e+00 : f32
    %max3A_71 = vector.broadcast %max3A_70 : f32 to vector<64x8192xf32>
    %max3A_72 = arith.maximumf %sub3A_69, %max3A_71 : vector<64x8192xf32>
    %mul3A_73 = arith.mulf %max3A_72, %max3A_72 : vector<64x8192xf32>
    %reduce_sum3A_74 = arith.constant dense<0.000000e+00> : vector<64xf32>
    %reduce_sum3A_75 = vector.multi_reduction <add>, %mul3A_73, %reduce_sum3A_74 [1] : vector<64x8192xf32> to vector<64xf32>
    %broadcast_in_dim3A_76 = vector.shape_cast %reduce_sum3A_75 : vector<64xf32> to vector<64x1xf32>
    %sub3A_77 = arith.constant 1.000000e+00 : f32
    %sub3A_78 = vector.broadcast %sub3A_77 : f32 to vector<64x1xf32>
    %sub3A_79 = arith.subf %broadcast_in_dim3A_76, %sub3A_78 : vector<64x1xf32>
    %reduce_sum3A_80 = arith.constant dense<0.000000e+00> : vector<64xf32>
    %reduce_sum3A_81 = vector.multi_reduction <add>, %max3A_72, %reduce_sum3A_80 [1] : vector<64x8192xf32> to vector<64xf32>
    %broadcast_in_dim3A_82 = vector.shape_cast %reduce_sum3A_81 : vector<64xf32> to vector<64x1xf32>
    %mul3A_83 = arith.constant 2.000000e+00 : f32
    %mul3A_84 = vector.broadcast %mul3A_83 : f32 to vector<64x1xf32>
    %mul3A_85 = arith.mulf %mul3A_84, %broadcast_in_dim3A_82 : vector<64x1xf32>
    %div3A_86 = arith.divf %sub3A_79, %mul3A_85 : vector<64x1xf32>
    %add3A_87 = arith.addf %add3A_67, %div3A_86 : vector<64x1xf32>
    %sub3A_88 = arith.constant 2.000000e-03 : f32
    %sub3A_89 = vector.broadcast %sub3A_88 : f32 to vector<64x1xf32>
    %sub3A_90 = arith.subf %add3A_87, %sub3A_89 : vector<64x1xf32>
    %mul3A_91 = arith.constant 2.000000e+00 : f32
    %mul3A_92 = vector.broadcast %mul3A_91 : f32 to vector<64x1xf32>
    %mul3A_93 = arith.mulf %mul3A_92, %sub3A_90 : vector<64x1xf32>
    %swap3A_94 = arith.constant 0 : index
    %swap3A_95 = arith.constant 0 : index
    %swap3A_96 = vector.load %arg1[%swap3A_94, %swap3A_95] : memref<64x1xf32, #tpu.memory_space<vmem>>, vector<64x1xf32>
    tpu.vector_store %arg1[%swap3A_94, %swap3A_95], %mul3A_93 {strides = array<i32>} : memref<64x1xf32, #tpu.memory_space<vmem>>, vector<64x1xf32>,
    return
  }
}

module attributes {stable_mosaic.version = 14 : i64} {
  func.func @_final_body(%arg0: memref<64x8192xf32, #tpu.memory_space<vmem>>, %arg1: memref<64x544xf32, #tpu.memory_space<vmem>>, %arg2: memref<64x8192xf32, #tpu.memory_space<vmem>>, %arg3: memref<64x8192xf32, #tpu.memory_space<vmem>>, %arg4: memref<64x8xf32, #tpu.memory_space<vmem>>) attributes {dimension_semantics = [], scalar_prefetch = 0 : i64, scratch_operands = 2 : i64, tpu.core_type = #tpu.core_type<tc>} {
    %get3A = arith.constant 0 : index
    %get3A_0 = arith.constant 512 : index
    %get3A_1 = vector.load %arg1[%get3A, %get3A_0] : memref<64x544xf32, #tpu.memory_space<vmem>>, vector<64x1xf32>
    %reduce_max3A = vector.shape_cast %get3A_1 : vector<64x1xf32> to vector<1x64x1xf32>
    %reduce_max3A_2 = arith.constant dense<0xFF800000> : vector<1xf32>
    %reduce_max3A_3 = vector.multi_reduction <maximumf>, %reduce_max3A, %reduce_max3A_2 [1, 2] : vector<1x64x1xf32> to vector<1xf32>
    %reduce_max3A_4 = vector.shape_cast %reduce_max3A_3 : vector<1xf32> to vector<1x1x1xf32>
    %reduce_max3A_5 = vector.extract %reduce_max3A_4[0, 0, 0] : f32 from vector<1x1x1xf32>
    %gt3A = arith.constant 5.120000e+02 : f32
    %gt3A_6 = arith.cmpf ogt, %reduce_max3A_5, %gt3A : f32
    %convert_element_type3A = arith.extui %gt3A_6 : i1 to i32
    %cond3A = arith.constant 0 : i32
    %cond3A_7 = arith.cmpi ne, %convert_element_type3A, %cond3A : i32
    scf.if %cond3A_7 {
      %get3A_8 = arith.constant 0 : index
      %get3A_9 = arith.constant 0 : index
      %get3A_10 = vector.load %arg0[%get3A_8, %get3A_9] : memref<64x8192xf32, #tpu.memory_space<vmem>>, vector<64x8192xf32>
      %mul3A = arith.constant 5.000000e-01 : f32
      %mul3A_11 = vector.broadcast %mul3A : f32 to vector<64x8192xf32>
      %mul3A_12 = arith.mulf %get3A_10, %mul3A_11 : vector<64x8192xf32>
      %swap3A = arith.constant 0 : index
      %swap3A_13 = arith.constant 0 : index
      %swap3A_14 = vector.load %arg3[%swap3A, %swap3A_13] : memref<64x8192xf32, #tpu.memory_space<vmem>>, vector<64x8192xf32>
      tpu.vector_store %arg3[%swap3A, %swap3A_13], %mul3A_12 {strides = array<i32>} : memref<64x8192xf32, #tpu.memory_space<vmem>>, vector<64x8192xf32>,
      %broadcast_in_dim3A = arith.constant 0x7F800000 : f32
      %broadcast_in_dim3A_15 = vector.broadcast %broadcast_in_dim3A : f32 to vector<64x1xf32>
      %swap3A_16 = arith.constant 0 : index
      %swap3A_17 = arith.constant 0 : index
      %swap3A_18 = vector.load %arg4[%swap3A_16, %swap3A_17] : memref<64x8xf32, #tpu.memory_space<vmem>>, vector<64x1xf32>
      tpu.vector_store %arg4[%swap3A_16, %swap3A_17], %broadcast_in_dim3A_15 {strides = array<i32>} : memref<64x8xf32, #tpu.memory_space<vmem>>, vector<64x1xf32>,
      %broadcast_in_dim3A_19 = arith.constant 0.000000e+00 : f32
      %broadcast_in_dim3A_20 = vector.broadcast %broadcast_in_dim3A_19 : f32 to vector<64x4xf32>
      %swap3A_21 = arith.constant 0 : index
      %swap3A_22 = arith.constant 1 : index
      %swap3A_23 = vector.load %arg4[%swap3A_21, %swap3A_22] : memref<64x8xf32, #tpu.memory_space<vmem>>, vector<64x4xf32>
      tpu.vector_store %arg4[%swap3A_21, %swap3A_22], %broadcast_in_dim3A_20 {strides = array<i32>} : memref<64x8xf32, #tpu.memory_space<vmem>>, vector<64x4xf32>,
      %broadcast_in_dim3A_24 = arith.constant 1.000000e+00 : f32
      %broadcast_in_dim3A_25 = vector.broadcast %broadcast_in_dim3A_24 : f32 to vector<64x1xf32>
      %swap3A_26 = arith.constant 0 : index
      %swap3A_27 = arith.constant 5 : index
      %swap3A_28 = vector.load %arg4[%swap3A_26, %swap3A_27] : memref<64x8xf32, #tpu.memory_space<vmem>>, vector<64x1xf32>
      tpu.vector_store %arg4[%swap3A_26, %swap3A_27], %broadcast_in_dim3A_25 {strides = array<i32>} : memref<64x8xf32, #tpu.memory_space<vmem>>, vector<64x1xf32>,
      %iota3A = tpu.iota {dimensions = array<i32: 1>} : vector<64x128xi32>
      %while3A = arith.constant 0 : i32
      %while3A_29 = arith.constant 1 : i32
      %while3A_30:2 = scf.while (%while3A_47 = %while3A, %while3A_48 = %while3A_29) : (i32, i32) -> (i32, i32) {
        %lt3A_49 = arith.constant 8192 : i32
        %lt3A_50 = arith.cmpi slt, %while3A_47, %lt3A_49 : i32
        %gt3A_51 = arith.constant 0 : i32
        %gt3A_52 = arith.cmpi sgt, %while3A_48, %gt3A_51 : i32
        %and3A = arith.andi %lt3A_50, %gt3A_52 : i1
        scf.condition(%and3A) %while3A_47, %while3A_48 : i32, i32
      } do {
      ^bb0(%while3A_47: i32, %while3A_48: i32):
        %get3A_49 = arith.constant 0 : index
        %get3A_50 = arith.constant 0 : index
        %get3A_51 = vector.load %arg4[%get3A_49, %get3A_50] : memref<64x8xf32, #tpu.memory_space<vmem>>, vector<64x1xf32>
        %get3A_52 = arith.constant 0 : index
        %get3A_53 = arith.constant 1 : index
        %get3A_54 = vector.load %arg4[%get3A_52, %get3A_53] : memref<64x8xf32, #tpu.memory_space<vmem>>, vector<64x1xf32>
        %get3A_55 = arith.constant 0 : index
        %get3A_56 = arith.constant 2 : index
        %get3A_57 = vector.load %arg4[%get3A_55, %get3A_56] : memref<64x8xf32, #tpu.memory_space<vmem>>, vector<64x1xf32>
        %get3A_58 = arith.constant 0 : index
        %get3A_59 = arith.constant 3 : index
        %get3A_60 = vector.load %arg4[%get3A_58, %get3A_59] : memref<64x8xf32, #tpu.memory_space<vmem>>, vector<64x1xf32>
        %get3A_61 = arith.constant 0 : index
        %get3A_62 = arith.constant 4 : index
        %get3A_63 = vector.load %arg4[%get3A_61, %get3A_62] : memref<64x8xf32, #tpu.memory_space<vmem>>, vector<64x1xf32>
        %get3A_64 = arith.constant 0 : index
        %get3A_65 = arith.constant 5 : index
        %get3A_66 = vector.load %arg4[%get3A_64, %get3A_65] : memref<64x8xf32, #tpu.memory_space<vmem>>, vector<64x1xf32>
        %get3A_67 = arith.constant 0 : index
        %get3A_68 = arith.constant 0 : index
        %get3A_69 = vector.load %arg3[%get3A_67, %get3A_68] : memref<64x8192xf32, #tpu.memory_space<vmem>>, vector<64x8192xf32>
        %eq3A = vector.broadcast %get3A_51 : vector<64x1xf32> to vector<64x8192xf32>
        %eq3A_70 = arith.cmpf oeq, %get3A_69, %eq3A : vector<64x8192xf32>
        %convert_element_type3A_71 = arith.extui %eq3A_70 : vector<64x8192xi1> to vector<64x8192xi32>
        %convert_element_type3A_72 = arith.sitofp %convert_element_type3A_71 : vector<64x8192xi32> to vector<64x8192xf32>
        %reduce_sum3A = arith.constant dense<0.000000e+00> : vector<64xf32>
        %reduce_sum3A_73 = vector.multi_reduction <add>, %convert_element_type3A_72, %reduce_sum3A [1] : vector<64x8192xf32> to vector<64xf32>
        %broadcast_in_dim3A_74 = vector.shape_cast %reduce_sum3A_73 : vector<64xf32> to vector<64x1xf32>
        %lt3A_75 = vector.broadcast %get3A_51 : vector<64x1xf32> to vector<64x8192xf32>
        %lt3A_76 = arith.cmpf olt, %get3A_69, %lt3A_75 : vector<64x8192xf32>
        %jit3A_77 = arith.constant 0xFF800000 : f32
        %broadcast_in_dim3A_78 = vector.broadcast %jit3A_77 : f32 to vector<64x8192xf32>
        %select_n3A_79 = arith.select %lt3A_76, %get3A_69, %broadcast_in_dim3A_78 : vector<64x8192xi1>, vector<64x8192xf32>
        %reduce_max3A_80 = arith.constant dense<0xFF800000> : vector<64xf32>
        %reduce_max3A_81 = vector.multi_reduction <maximumf>, %select_n3A_79, %reduce_max3A_80 [1] : vector<64x8192xf32> to vector<64xf32>
        %broadcast_in_dim3A_82 = vector.shape_cast %reduce_max3A_81 : vector<64xf32> to vector<64x1xf32>
        %lt3A_83 = arith.cmpf olt, %get3A_54, %broadcast_in_dim3A_74 : vector<64x1xf32>
        %select_n3A_84 = arith.select %lt3A_83, %get3A_51, %broadcast_in_dim3A_82 : vector<64x1xi1>, vector<64x1xf32>
        %add3A = arith.constant 1.000000e+00 : f32
        %add3A_85 = vector.broadcast %add3A : f32 to vector<64x1xf32>
        %add3A_86 = arith.addf %get3A_54, %add3A_85 : vector<64x1xf32>
        %jit3A_87 = arith.constant 1.000000e+00 : f32
        %broadcast_in_dim3A_88 = vector.broadcast %jit3A_87 : f32 to vector<64x1xf32>
        %select_n3A_89 = arith.select %lt3A_83, %add3A_86, %broadcast_in_dim3A_88 : vector<64x1xi1>, vector<64x1xf32>
        %add3A_90 = arith.constant 1 : i32
        %add3A_91 = arith.addi %while3A_47, %add3A_90 : i32
        %convert_element_type3A_92 = arith.sitofp %add3A_91 : i32 to f32
        %add3A_93 = arith.addf %get3A_57, %select_n3A_84 : vector<64x1xf32>
        %mul3A_94 = arith.mulf %select_n3A_84, %select_n3A_84 : vector<64x1xf32>
        %add3A_95 = arith.addf %get3A_60, %mul3A_94 : vector<64x1xf32>
        %div3A = vector.broadcast %convert_element_type3A_92 : f32 to vector<64x1xf32>
        %div3A_96 = arith.divf %add3A_93, %div3A : vector<64x1xf32>
        %div3A_97 = vector.broadcast %convert_element_type3A_92 : f32 to vector<64x1xf32>
        %div3A_98 = arith.divf %add3A_95, %div3A_97 : vector<64x1xf32>
        %mul3A_99 = arith.mulf %div3A_96, %div3A_96 : vector<64x1xf32>
        %sub3A_100 = arith.subf %div3A_98, %mul3A_99 : vector<64x1xf32>
        %mul3A_101 = vector.broadcast %convert_element_type3A_92 : f32 to vector<64x1xf32>
        %mul3A_102 = arith.mulf %mul3A_101, %sub3A_100 : vector<64x1xf32>
        %sub3A_103 = arith.constant 1.000000e+00 : f32
        %sub3A_104 = vector.broadcast %sub3A_103 : f32 to vector<64x1xf32>
        %sub3A_105 = arith.subf %sub3A_104, %mul3A_102 : vector<64x1xf32>
        %div3A_106 = vector.broadcast %convert_element_type3A_92 : f32 to vector<64x1xf32>
        %div3A_107 = arith.divf %sub3A_105, %div3A_106 : vector<64x1xf32>
        %sqrt3A = math.sqrt %div3A_107 : vector<64x1xf32>
        %sub3A_108 = arith.subf %div3A_96, %sqrt3A : vector<64x1xf32>
        %gt3A_109 = arith.constant 0.000000e+00 : f32
        %gt3A_110 = vector.broadcast %gt3A_109 : f32 to vector<64x1xf32>
        %gt3A_111 = arith.cmpf ogt, %get3A_66, %gt3A_110 : vector<64x1xf32>
        %le3A = arith.cmpf ole, %sub3A_108, %select_n3A_84 : vector<64x1xf32>
        %and3A = arith.andi %gt3A_111, %le3A : vector<64x1xi1>
        %convert_element_type3A_112 = arith.extui %and3A : vector<64x1xi1> to vector<64x1xi32>
        %convert_element_type3A_113 = arith.sitofp %convert_element_type3A_112 : vector<64x1xi32> to vector<64x1xf32>
        %select_n3A_114 = arith.select %and3A, %sub3A_108, %get3A_63 : vector<64x1xi1>, vector<64x1xf32>
        %jit3A_115 = arith.constant 128 : i32
        %div3A_116 = arith.divsi %while3A_47, %jit3A_115 : i32
        %sign3A = arith.constant 0 : i32
        %sign3A_117 = arith.cmpi sgt, %while3A_47, %sign3A : i32
        %sign3A_118 = arith.extui %sign3A_117 : i1 to i32
        %sign3A_119 = arith.constant 0 : i32
        %sign3A_120 = arith.cmpi slt, %while3A_47, %sign3A_119 : i32
        %sign3A_121 = arith.extui %sign3A_120 : i1 to i32
        %sign3A_122 = arith.subi %sign3A_118, %sign3A_121 : i32
        %sign3A_123 = arith.constant 0 : i32
        %sign3A_124 = arith.cmpi sgt, %jit3A_115, %sign3A_123 : i32
        %sign3A_125 = arith.extui %sign3A_124 : i1 to i32
        %sign3A_126 = arith.constant 0 : i32
        %sign3A_127 = arith.cmpi slt, %jit3A_115, %sign3A_126 : i32
        %sign3A_128 = arith.extui %sign3A_127 : i1 to i32
        %sign3A_129 = arith.subi %sign3A_125, %sign3A_128 : i32
        %ne3A = arith.cmpi ne, %sign3A_122, %sign3A_129 : i32
        %rem3A = arith.remsi %while3A_47, %jit3A_115 : i32
        %ne3A_130 = arith.constant 0 : i32
        %ne3A_131 = arith.cmpi ne, %rem3A, %ne3A_130 : i32
        %and3A_132 = arith.andi %ne3A, %ne3A_131 : i1
        %sub3A_133 = arith.constant 1 : i32
        %sub3A_134 = arith.subi %div3A_116, %sub3A_133 : i32
        %select_n3A_135 = arith.select %and3A_132, %sub3A_134, %div3A_116 : i32
        %mul3A_136 = arith.constant 128 : i32
        %mul3A_137 = arith.muli %select_n3A_135, %mul3A_136 : i32
        %multiple_of3A = tpu.assume_multiple %mul3A_137, 128 : i32
        %get3A_138 = arith.constant 0 : index
        %get3A_139 = arith.index_cast %multiple_of3A : i32 to index
        %get3A_140 = vector.load %arg2[%get3A_138, %get3A_139] : memref<64x8192xf32, #tpu.memory_space<vmem>>, vector<64x128xf32>
        %sub3A_141 = arith.subi %while3A_47, %multiple_of3A : i32
        %eq3A_142 = vector.broadcast %sub3A_141 : i32 to vector<64x128xi32>
        %eq3A_143 = arith.cmpi eq, %iota3A, %eq3A_142 : vector<64x128xi32>
        %broadcast_in_dim3A_144 = vector.shape_cast %select_n3A_84 : vector<64x1xf32> to vector<64x1xf32>
        %broadcast_in_dim3A_145 = vector.broadcast %broadcast_in_dim3A_144 : vector<64x1xf32> to vector<64x128xf32>
        %select_n3A_146 = arith.select %eq3A_143, %broadcast_in_dim3A_145, %get3A_140 : vector<64x128xi1>, vector<64x128xf32>
        %swap3A_147 = arith.constant 0 : index
        %swap3A_148 = arith.index_cast %multiple_of3A : i32 to index
        %swap3A_149 = vector.load %arg2[%swap3A_147, %swap3A_148] : memref<64x8192xf32, #tpu.memory_space<vmem>>, vector<64x128xf32>
        tpu.vector_store %arg2[%swap3A_147, %swap3A_148], %select_n3A_146 {strides = array<i32>} : memref<64x8192xf32, #tpu.memory_space<vmem>>, vector<64x128xf32>,
        %swap3A_150 = arith.constant 0 : index
        %swap3A_151 = arith.constant 0 : index
        %swap3A_152 = vector.load %arg4[%swap3A_150, %swap3A_151] : memref<64x8xf32, #tpu.memory_space<vmem>>, vector<64x1xf32>
        tpu.vector_store %arg4[%swap3A_150, %swap3A_151], %select_n3A_84 {strides = array<i32>} : memref<64x8xf32, #tpu.memory_space<vmem>>, vector<64x1xf32>,
        %swap3A_153 = arith.constant 0 : index
        %swap3A_154 = arith.constant 1 : index
        %swap3A_155 = vector.load %arg4[%swap3A_153, %swap3A_154] : memref<64x8xf32, #tpu.memory_space<vmem>>, vector<64x1xf32>
        tpu.vector_store %arg4[%swap3A_153, %swap3A_154], %select_n3A_89 {strides = array<i32>} : memref<64x8xf32, #tpu.memory_space<vmem>>, vector<64x1xf32>,
        %swap3A_156 = arith.constant 0 : index
        %swap3A_157 = arith.constant 2 : index
        %swap3A_158 = vector.load %arg4[%swap3A_156, %swap3A_157] : memref<64x8xf32, #tpu.memory_space<vmem>>, vector<64x1xf32>
        tpu.vector_store %arg4[%swap3A_156, %swap3A_157], %add3A_93 {strides = array<i32>} : memref<64x8xf32, #tpu.memory_space<vmem>>, vector<64x1xf32>,
        %swap3A_159 = arith.constant 0 : index
        %swap3A_160 = arith.constant 3 : index
        %swap3A_161 = vector.load %arg4[%swap3A_159, %swap3A_160] : memref<64x8xf32, #tpu.memory_space<vmem>>, vector<64x1xf32>
        tpu.vector_store %arg4[%swap3A_159, %swap3A_160], %add3A_95 {strides = array<i32>} : memref<64x8xf32, #tpu.memory_space<vmem>>, vector<64x1xf32>,
        %swap3A_162 = arith.constant 0 : index
        %swap3A_163 = arith.constant 4 : index
        %swap3A_164 = vector.load %arg4[%swap3A_162, %swap3A_163] : memref<64x8xf32, #tpu.memory_space<vmem>>, vector<64x1xf32>
        tpu.vector_store %arg4[%swap3A_162, %swap3A_163], %select_n3A_114 {strides = array<i32>} : memref<64x8xf32, #tpu.memory_space<vmem>>, vector<64x1xf32>,
        %swap3A_165 = arith.constant 0 : index
        %swap3A_166 = arith.constant 5 : index
        %swap3A_167 = vector.load %arg4[%swap3A_165, %swap3A_166] : memref<64x8xf32, #tpu.memory_space<vmem>>, vector<64x1xf32>
        tpu.vector_store %arg4[%swap3A_165, %swap3A_166], %convert_element_type3A_113 {strides = array<i32>} : memref<64x8xf32, #tpu.memory_space<vmem>>, vector<64x1xf32>,
        %reduce_sum3A_168 = vector.shape_cast %convert_element_type3A_113 : vector<64x1xf32> to vector<1x64x1xf32>
        %reduce_sum3A_169 = arith.constant dense<0.000000e+00> : vector<1xf32>
        %reduce_sum3A_170 = vector.multi_reduction <add>, %reduce_sum3A_168, %reduce_sum3A_169 [1, 2] : vector<1x64x1xf32> to vector<1xf32>
        %reduce_sum3A_171 = vector.shape_cast %reduce_sum3A_170 : vector<1xf32> to vector<1x1x1xf32>
        %reduce_sum3A_172 = vector.extract %reduce_sum3A_171[0, 0, 0] : f32 from vector<1x1x1xf32>
        %add3A_173 = arith.constant 1 : i32
        %add3A_174 = arith.addi %while3A_47, %add3A_173 : i32
        %gt3A_175 = arith.constant 0.000000e+00 : f32
        %gt3A_176 = arith.cmpf ogt, %reduce_sum3A_172, %gt3A_175 : f32
        %convert_element_type3A_177 = arith.extui %gt3A_176 : i1 to i32
        scf.yield %add3A_174, %convert_element_type3A_177 : i32, i32
      }
      %get3A_31 = arith.constant 0 : index
      %get3A_32 = arith.constant 4 : index
      %get3A_33 = vector.load %arg4[%get3A_31, %get3A_32] : memref<64x8xf32, #tpu.memory_space<vmem>>, vector<64x1xf32>
      %iota3A_34 = tpu.iota {dimensions = array<i32: 1>} : vector<64x8192xi32>
      %get3A_35 = arith.constant 0 : index
      %get3A_36 = arith.constant 0 : index
      %get3A_37 = vector.load %arg2[%get3A_35, %get3A_36] : memref<64x8192xf32, #tpu.memory_space<vmem>>, vector<64x8192xf32>
      %sub3A = vector.broadcast %get3A_33 : vector<64x1xf32> to vector<64x8192xf32>
      %sub3A_38 = arith.subf %get3A_37, %sub3A : vector<64x8192xf32>
      %max3A = arith.constant 0.000000e+00 : f32
      %max3A_39 = vector.broadcast %max3A : f32 to vector<64x8192xf32>
      %max3A_40 = arith.maximumf %sub3A_38, %max3A_39 : vector<64x8192xf32>
      %lt3A = vector.broadcast %while3A_30#0 : i32 to vector<64x8192xi32>
      %lt3A_41 = arith.cmpi slt, %iota3A_34, %lt3A : vector<64x8192xi32>
      %mul3A_42 = arith.mulf %max3A_40, %max3A_40 : vector<64x8192xf32>
      %jit3A = arith.constant 0.000000e+00 : f32
      %broadcast_in_dim3A_43 = vector.broadcast %jit3A : f32 to vector<64x8192xf32>
      %select_n3A = arith.select %lt3A_41, %mul3A_42, %broadcast_in_dim3A_43 : vector<64x8192xi1>, vector<64x8192xf32>
      %swap3A_44 = arith.constant 0 : index
      %swap3A_45 = arith.constant 0 : index
      %swap3A_46 = vector.load %arg2[%swap3A_44, %swap3A_45] : memref<64x8192xf32, #tpu.memory_space<vmem>>, vector<64x8192xf32>
      tpu.vector_store %arg2[%swap3A_44, %swap3A_45], %select_n3A {strides = array<i32>} : memref<64x8192xf32, #tpu.memory_space<vmem>>, vector<64x8192xf32>,
    } else {
      %iota3A = tpu.iota {dimensions = array<i32: 1>} : vector<64x512xi32>
      %convert_element_type3A_8 = arith.fptosi %get3A_1 : vector<64x1xf32> to vector<64x1xi32>
      %lt3A = vector.broadcast %convert_element_type3A_8 : vector<64x1xi32> to vector<64x512xi32>
      %lt3A_9 = arith.cmpi slt, %iota3A, %lt3A : vector<64x512xi32>
      %get3A_10 = arith.constant 0 : index
      %get3A_11 = arith.constant 0 : index
      %get3A_12 = vector.load %arg1[%get3A_10, %get3A_11] : memref<64x544xf32, #tpu.memory_space<vmem>>, vector<64x512xf32>
      %mul3A = arith.constant 5.000000e-01 : f32
      %mul3A_13 = vector.broadcast %mul3A : f32 to vector<64x512xf32>
      %mul3A_14 = arith.mulf %get3A_12, %mul3A_13 : vector<64x512xf32>
      %jit3A = arith.constant 0xFF800000 : f32
      %broadcast_in_dim3A = vector.broadcast %jit3A : f32 to vector<64x512xf32>
      %select_n3A = arith.select %lt3A_9, %mul3A_14, %broadcast_in_dim3A : vector<64x512xi1>, vector<64x512xf32>
      %iota3A_15 = tpu.iota {dimensions = array<i32: 1>} : vector<64x512xi32>
      %roll3A = arith.constant 511 : i32
      %roll3A_16 = tpu.dynamic_rotate %select_n3A by %roll3A dim 1 : vector<64x512xf32>, i32 -> vector<64x512xf32>
      %roll3A_17 = arith.constant 1 : i32
      %roll3A_18 = tpu.dynamic_rotate %select_n3A by %roll3A_17 dim 1 : vector<64x512xf32>, i32 -> vector<64x512xf32>
      %and3A = arith.constant 1 : i32
      %and3A_19 = vector.broadcast %and3A : i32 to vector<64x512xi32>
      %and3A_20 = arith.andi %iota3A_15, %and3A_19 : vector<64x512xi32>
      %eq3A = arith.constant 0 : i32
      %eq3A_21 = vector.broadcast %eq3A : i32 to vector<64x512xi32>
      %eq3A_22 = arith.cmpi eq, %and3A_20, %eq3A_21 : vector<64x512xi32>
      %select_n3A_23 = arith.select %eq3A_22, %roll3A_16, %roll3A_18 : vector<64x512xi1>, vector<64x512xf32>
      %and3A_24 = arith.constant 2 : i32
      %and3A_25 = vector.broadcast %and3A_24 : i32 to vector<64x512xi32>
      %and3A_26 = arith.andi %iota3A_15, %and3A_25 : vector<64x512xi32>
      %eq3A_27 = arith.constant 0 : i32
      %eq3A_28 = vector.broadcast %eq3A_27 : i32 to vector<64x512xi32>
      %eq3A_29 = arith.cmpi eq, %and3A_26, %eq3A_28 : vector<64x512xi32>
      %eq3A_30 = arith.xori %eq3A_29, %eq3A_22 : vector<64x512xi1>
      %eq3A_31 = arith.constant dense<true> : vector<64x512xi1>
      %eq3A_32 = arith.xori %eq3A_30, %eq3A_31 : vector<64x512xi1>
      %max3A = arith.maximumf %select_n3A, %select_n3A_23 : vector<64x512xf32>
      %min3A = arith.minimumf %select_n3A, %select_n3A_23 : vector<64x512xf32>
      %select_n3A_33 = arith.select %eq3A_32, %max3A, %min3A : vector<64x512xi1>, vector<64x512xf32>
      %roll3A_34 = arith.constant 510 : i32
      %roll3A_35 = tpu.dynamic_rotate %select_n3A_33 by %roll3A_34 dim 1 : vector<64x512xf32>, i32 -> vector<64x512xf32>
      %roll3A_36 = arith.constant 2 : i32
      %roll3A_37 = tpu.dynamic_rotate %select_n3A_33 by %roll3A_36 dim 1 : vector<64x512xf32>, i32 -> vector<64x512xf32>
      %and3A_38 = arith.constant 2 : i32
      %and3A_39 = vector.broadcast %and3A_38 : i32 to vector<64x512xi32>
      %and3A_40 = arith.andi %iota3A_15, %and3A_39 : vector<64x512xi32>
      %eq3A_41 = arith.constant 0 : i32
      %eq3A_42 = vector.broadcast %eq3A_41 : i32 to vector<64x512xi32>
      %eq3A_43 = arith.cmpi eq, %and3A_40, %eq3A_42 : vector<64x512xi32>
      %select_n3A_44 = arith.select %eq3A_43, %roll3A_35, %roll3A_37 : vector<64x512xi1>, vector<64x512xf32>
      %and3A_45 = arith.constant 4 : i32
      %and3A_46 = vector.broadcast %and3A_45 : i32 to vector<64x512xi32>
      %and3A_47 = arith.andi %iota3A_15, %and3A_46 : vector<64x512xi32>
      %eq3A_48 = arith.constant 0 : i32
      %eq3A_49 = vector.broadcast %eq3A_48 : i32 to vector<64x512xi32>
      %eq3A_50 = arith.cmpi eq, %and3A_47, %eq3A_49 : vector<64x512xi32>
      %eq3A_51 = arith.xori %eq3A_50, %eq3A_43 : vector<64x512xi1>
      %eq3A_52 = arith.constant dense<true> : vector<64x512xi1>
      %eq3A_53 = arith.xori %eq3A_51, %eq3A_52 : vector<64x512xi1>
      %max3A_54 = arith.maximumf %select_n3A_33, %select_n3A_44 : vector<64x512xf32>
      %min3A_55 = arith.minimumf %select_n3A_33, %select_n3A_44 : vector<64x512xf32>
      %select_n3A_56 = arith.select %eq3A_53, %max3A_54, %min3A_55 : vector<64x512xi1>, vector<64x512xf32>
      %roll3A_57 = arith.constant 511 : i32
      %roll3A_58 = tpu.dynamic_rotate %select_n3A_56 by %roll3A_57 dim 1 : vector<64x512xf32>, i32 -> vector<64x512xf32>
      %roll3A_59 = arith.constant 1 : i32
      %roll3A_60 = tpu.dynamic_rotate %select_n3A_56 by %roll3A_59 dim 1 : vector<64x512xf32>, i32 -> vector<64x512xf32>
      %and3A_61 = arith.constant 1 : i32
      %and3A_62 = vector.broadcast %and3A_61 : i32 to vector<64x512xi32>
      %and3A_63 = arith.andi %iota3A_15, %and3A_62 : vector<64x512xi32>
      %eq3A_64 = arith.constant 0 : i32
      %eq3A_65 = vector.broadcast %eq3A_64 : i32 to vector<64x512xi32>
      %eq3A_66 = arith.cmpi eq, %and3A_63, %eq3A_65 : vector<64x512xi32>
      %select_n3A_67 = arith.select %eq3A_66, %roll3A_58, %roll3A_60 : vector<64x512xi1>, vector<64x512xf32>
      %and3A_68 = arith.constant 4 : i32
      %and3A_69 = vector.broadcast %and3A_68 : i32 to vector<64x512xi32>
      %and3A_70 = arith.andi %iota3A_15, %and3A_69 : vector<64x512xi32>
      %eq3A_71 = arith.constant 0 : i32
      %eq3A_72 = vector.broadcast %eq3A_71 : i32 to vector<64x512xi32>
      %eq3A_73 = arith.cmpi eq, %and3A_70, %eq3A_72 : vector<64x512xi32>
      %eq3A_74 = arith.xori %eq3A_73, %eq3A_66 : vector<64x512xi1>
      %eq3A_75 = arith.constant dense<true> : vector<64x512xi1>
      %eq3A_76 = arith.xori %eq3A_74, %eq3A_75 : vector<64x512xi1>
      %max3A_77 = arith.maximumf %select_n3A_56, %select_n3A_67 : vector<64x512xf32>
      %min3A_78 = arith.minimumf %select_n3A_56, %select_n3A_67 : vector<64x512xf32>
      %select_n3A_79 = arith.select %eq3A_76, %max3A_77, %min3A_78 : vector<64x512xi1>, vector<64x512xf32>
      %roll3A_80 = arith.constant 508 : i32
      %roll3A_81 = tpu.dynamic_rotate %select_n3A_79 by %roll3A_80 dim 1 : vector<64x512xf32>, i32 -> vector<64x512xf32>
      %roll3A_82 = arith.constant 4 : i32
      %roll3A_83 = tpu.dynamic_rotate %select_n3A_79 by %roll3A_82 dim 1 : vector<64x512xf32>, i32 -> vector<64x512xf32>
      %and3A_84 = arith.constant 4 : i32
      %and3A_85 = vector.broadcast %and3A_84 : i32 to vector<64x512xi32>
      %and3A_86 = arith.andi %iota3A_15, %and3A_85 : vector<64x512xi32>
      %eq3A_87 = arith.constant 0 : i32
      %eq3A_88 = vector.broadcast %eq3A_87 : i32 to vector<64x512xi32>
      %eq3A_89 = arith.cmpi eq, %and3A_86, %eq3A_88 : vector<64x512xi32>
      %select_n3A_90 = arith.select %eq3A_89, %roll3A_81, %roll3A_83 : vector<64x512xi1>, vector<64x512xf32>
      %and3A_91 = arith.constant 8 : i32
      %and3A_92 = vector.broadcast %and3A_91 : i32 to vector<64x512xi32>
      %and3A_93 = arith.andi %iota3A_15, %and3A_92 : vector<64x512xi32>
      %eq3A_94 = arith.constant 0 : i32
      %eq3A_95 = vector.broadcast %eq3A_94 : i32 to vector<64x512xi32>
      %eq3A_96 = arith.cmpi eq, %and3A_93, %eq3A_95 : vector<64x512xi32>
      %eq3A_97 = arith.xori %eq3A_96, %eq3A_89 : vector<64x512xi1>
      %eq3A_98 = arith.constant dense<true> : vector<64x512xi1>
      %eq3A_99 = arith.xori %eq3A_97, %eq3A_98 : vector<64x512xi1>
      %max3A_100 = arith.maximumf %select_n3A_79, %select_n3A_90 : vector<64x512xf32>
      %min3A_101 = arith.minimumf %select_n3A_79, %select_n3A_90 : vector<64x512xf32>
      %select_n3A_102 = arith.select %eq3A_99, %max3A_100, %min3A_101 : vector<64x512xi1>, vector<64x512xf32>
      %roll3A_103 = arith.constant 510 : i32
      %roll3A_104 = tpu.dynamic_rotate %select_n3A_102 by %roll3A_103 dim 1 : vector<64x512xf32>, i32 -> vector<64x512xf32>
      %roll3A_105 = arith.constant 2 : i32
      %roll3A_106 = tpu.dynamic_rotate %select_n3A_102 by %roll3A_105 dim 1 : vector<64x512xf32>, i32 -> vector<64x512xf32>
      %and3A_107 = arith.constant 2 : i32
      %and3A_108 = vector.broadcast %and3A_107 : i32 to vector<64x512xi32>
      %and3A_109 = arith.andi %iota3A_15, %and3A_108 : vector<64x512xi32>
      %eq3A_110 = arith.constant 0 : i32
      %eq3A_111 = vector.broadcast %eq3A_110 : i32 to vector<64x512xi32>
      %eq3A_112 = arith.cmpi eq, %and3A_109, %eq3A_111 : vector<64x512xi32>
      %select_n3A_113 = arith.select %eq3A_112, %roll3A_104, %roll3A_106 : vector<64x512xi1>, vector<64x512xf32>
      %and3A_114 = arith.constant 8 : i32
      %and3A_115 = vector.broadcast %and3A_114 : i32 to vector<64x512xi32>
      %and3A_116 = arith.andi %iota3A_15, %and3A_115 : vector<64x512xi32>
      %eq3A_117 = arith.constant 0 : i32
      %eq3A_118 = vector.broadcast %eq3A_117 : i32 to vector<64x512xi32>
      %eq3A_119 = arith.cmpi eq, %and3A_116, %eq3A_118 : vector<64x512xi32>
      %eq3A_120 = arith.xori %eq3A_119, %eq3A_112 : vector<64x512xi1>
      %eq3A_121 = arith.constant dense<true> : vector<64x512xi1>
      %eq3A_122 = arith.xori %eq3A_120, %eq3A_121 : vector<64x512xi1>
      %max3A_123 = arith.maximumf %select_n3A_102, %select_n3A_113 : vector<64x512xf32>
      %min3A_124 = arith.minimumf %select_n3A_102, %select_n3A_113 : vector<64x512xf32>
      %select_n3A_125 = arith.select %eq3A_122, %max3A_123, %min3A_124 : vector<64x512xi1>, vector<64x512xf32>
      %roll3A_126 = arith.constant 511 : i32
      %roll3A_127 = tpu.dynamic_rotate %select_n3A_125 by %roll3A_126 dim 1 : vector<64x512xf32>, i32 -> vector<64x512xf32>
      %roll3A_128 = arith.constant 1 : i32
      %roll3A_129 = tpu.dynamic_rotate %select_n3A_125 by %roll3A_128 dim 1 : vector<64x512xf32>, i32 -> vector<64x512xf32>
      %and3A_130 = arith.constant 1 : i32
      %and3A_131 = vector.broadcast %and3A_130 : i32 to vector<64x512xi32>
      %and3A_132 = arith.andi %iota3A_15, %and3A_131 : vector<64x512xi32>
      %eq3A_133 = arith.constant 0 : i32
      %eq3A_134 = vector.broadcast %eq3A_133 : i32 to vector<64x512xi32>
      %eq3A_135 = arith.cmpi eq, %and3A_132, %eq3A_134 : vector<64x512xi32>
      %select_n3A_136 = arith.select %eq3A_135, %roll3A_127, %roll3A_129 : vector<64x512xi1>, vector<64x512xf32>
      %and3A_137 = arith.constant 8 : i32
      %and3A_138 = vector.broadcast %and3A_137 : i32 to vector<64x512xi32>
      %and3A_139 = arith.andi %iota3A_15, %and3A_138 : vector<64x512xi32>
      %eq3A_140 = arith.constant 0 : i32
      %eq3A_141 = vector.broadcast %eq3A_140 : i32 to vector<64x512xi32>
      %eq3A_142 = arith.cmpi eq, %and3A_139, %eq3A_141 : vector<64x512xi32>
      %eq3A_143 = arith.xori %eq3A_142, %eq3A_135 : vector<64x512xi1>
      %eq3A_144 = arith.constant dense<true> : vector<64x512xi1>
      %eq3A_145 = arith.xori %eq3A_143, %eq3A_144 : vector<64x512xi1>
      %max3A_146 = arith.maximumf %select_n3A_125, %select_n3A_136 : vector<64x512xf32>
      %min3A_147 = arith.minimumf %select_n3A_125, %select_n3A_136 : vector<64x512xf32>
      %select_n3A_148 = arith.select %eq3A_145, %max3A_146, %min3A_147 : vector<64x512xi1>, vector<64x512xf32>
      %roll3A_149 = arith.constant 504 : i32
      %roll3A_150 = tpu.dynamic_rotate %select_n3A_148 by %roll3A_149 dim 1 : vector<64x512xf32>, i32 -> vector<64x512xf32>
      %roll3A_151 = arith.constant 8 : i32
      %roll3A_152 = tpu.dynamic_rotate %select_n3A_148 by %roll3A_151 dim 1 : vector<64x512xf32>, i32 -> vector<64x512xf32>
      %and3A_153 = arith.constant 8 : i32
      %and3A_154 = vector.broadcast %and3A_153 : i32 to vector<64x512xi32>
      %and3A_155 = arith.andi %iota3A_15, %and3A_154 : vector<64x512xi32>
      %eq3A_156 = arith.constant 0 : i32
      %eq3A_157 = vector.broadcast %eq3A_156 : i32 to vector<64x512xi32>
      %eq3A_158 = arith.cmpi eq, %and3A_155, %eq3A_157 : vector<64x512xi32>
      %select_n3A_159 = arith.select %eq3A_158, %roll3A_150, %roll3A_152 : vector<64x512xi1>, vector<64x512xf32>
      %and3A_160 = arith.constant 16 : i32
      %and3A_161 = vector.broadcast %and3A_160 : i32 to vector<64x512xi32>
      %and3A_162 = arith.andi %iota3A_15, %and3A_161 : vector<64x512xi32>
      %eq3A_163 = arith.constant 0 : i32
      %eq3A_164 = vector.broadcast %eq3A_163 : i32 to vector<64x512xi32>
      %eq3A_165 = arith.cmpi eq, %and3A_162, %eq3A_164 : vector<64x512xi32>
      %eq3A_166 = arith.xori %eq3A_165, %eq3A_158 : vector<64x512xi1>
      %eq3A_167 = arith.constant dense<true> : vector<64x512xi1>
      %eq3A_168 = arith.xori %eq3A_166, %eq3A_167 : vector<64x512xi1>
      %max3A_169 = arith.maximumf %select_n3A_148, %select_n3A_159 : vector<64x512xf32>
      %min3A_170 = arith.minimumf %select_n3A_148, %select_n3A_159 : vector<64x512xf32>
      %select_n3A_171 = arith.select %eq3A_168, %max3A_169, %min3A_170 : vector<64x512xi1>, vector<64x512xf32>
      %roll3A_172 = arith.constant 508 : i32
      %roll3A_173 = tpu.dynamic_rotate %select_n3A_171 by %roll3A_172 dim 1 : vector<64x512xf32>, i32 -> vector<64x512xf32>
      %roll3A_174 = arith.constant 4 : i32
      %roll3A_175 = tpu.dynamic_rotate %select_n3A_171 by %roll3A_174 dim 1 : vector<64x512xf32>, i32 -> vector<64x512xf32>
      %and3A_176 = arith.constant 4 : i32
      %and3A_177 = vector.broadcast %and3A_176 : i32 to vector<64x512xi32>
      %and3A_178 = arith.andi %iota3A_15, %and3A_177 : vector<64x512xi32>
      %eq3A_179 = arith.constant 0 : i32
      %eq3A_180 = vector.broadcast %eq3A_179 : i32 to vector<64x512xi32>
      %eq3A_181 = arith.cmpi eq, %and3A_178, %eq3A_180 : vector<64x512xi32>
      %select_n3A_182 = arith.select %eq3A_181, %roll3A_173, %roll3A_175 : vector<64x512xi1>, vector<64x512xf32>
      %and3A_183 = arith.constant 16 : i32
      %and3A_184 = vector.broadcast %and3A_183 : i32 to vector<64x512xi32>
      %and3A_185 = arith.andi %iota3A_15, %and3A_184 : vector<64x512xi32>
      %eq3A_186 = arith.constant 0 : i32
      %eq3A_187 = vector.broadcast %eq3A_186 : i32 to vector<64x512xi32>
      %eq3A_188 = arith.cmpi eq, %and3A_185, %eq3A_187 : vector<64x512xi32>
      %eq3A_189 = arith.xori %eq3A_188, %eq3A_181 : vector<64x512xi1>
      %eq3A_190 = arith.constant dense<true> : vector<64x512xi1>
      %eq3A_191 = arith.xori %eq3A_189, %eq3A_190 : vector<64x512xi1>
      %max3A_192 = arith.maximumf %select_n3A_171, %select_n3A_182 : vector<64x512xf32>
      %min3A_193 = arith.minimumf %select_n3A_171, %select_n3A_182 : vector<64x512xf32>
      %select_n3A_194 = arith.select %eq3A_191, %max3A_192, %min3A_193 : vector<64x512xi1>, vector<64x512xf32>
      %roll3A_195 = arith.constant 510 : i32
      %roll3A_196 = tpu.dynamic_rotate %select_n3A_194 by %roll3A_195 dim 1 : vector<64x512xf32>, i32 -> vector<64x512xf32>
      %roll3A_197 = arith.constant 2 : i32
      %roll3A_198 = tpu.dynamic_rotate %select_n3A_194 by %roll3A_197 dim 1 : vector<64x512xf32>, i32 -> vector<64x512xf32>
      %and3A_199 = arith.constant 2 : i32
      %and3A_200 = vector.broadcast %and3A_199 : i32 to vector<64x512xi32>
      %and3A_201 = arith.andi %iota3A_15, %and3A_200 : vector<64x512xi32>
      %eq3A_202 = arith.constant 0 : i32
      %eq3A_203 = vector.broadcast %eq3A_202 : i32 to vector<64x512xi32>
      %eq3A_204 = arith.cmpi eq, %and3A_201, %eq3A_203 : vector<64x512xi32>
      %select_n3A_205 = arith.select %eq3A_204, %roll3A_196, %roll3A_198 : vector<64x512xi1>, vector<64x512xf32>
      %and3A_206 = arith.constant 16 : i32
      %and3A_207 = vector.broadcast %and3A_206 : i32 to vector<64x512xi32>
      %and3A_208 = arith.andi %iota3A_15, %and3A_207 : vector<64x512xi32>
      %eq3A_209 = arith.constant 0 : i32
      %eq3A_210 = vector.broadcast %eq3A_209 : i32 to vector<64x512xi32>
      %eq3A_211 = arith.cmpi eq, %and3A_208, %eq3A_210 : vector<64x512xi32>
      %eq3A_212 = arith.xori %eq3A_211, %eq3A_204 : vector<64x512xi1>
      %eq3A_213 = arith.constant dense<true> : vector<64x512xi1>
      %eq3A_214 = arith.xori %eq3A_212, %eq3A_213 : vector<64x512xi1>
      %max3A_215 = arith.maximumf %select_n3A_194, %select_n3A_205 : vector<64x512xf32>
      %min3A_216 = arith.minimumf %select_n3A_194, %select_n3A_205 : vector<64x512xf32>
      %select_n3A_217 = arith.select %eq3A_214, %max3A_215, %min3A_216 : vector<64x512xi1>, vector<64x512xf32>
      %roll3A_218 = arith.constant 511 : i32
      %roll3A_219 = tpu.dynamic_rotate %select_n3A_217 by %roll3A_218 dim 1 : vector<64x512xf32>, i32 -> vector<64x512xf32>
      %roll3A_220 = arith.constant 1 : i32
      %roll3A_221 = tpu.dynamic_rotate %select_n3A_217 by %roll3A_220 dim 1 : vector<64x512xf32>, i32 -> vector<64x512xf32>
      %and3A_222 = arith.constant 1 : i32
      %and3A_223 = vector.broadcast %and3A_222 : i32 to vector<64x512xi32>
      %and3A_224 = arith.andi %iota3A_15, %and3A_223 : vector<64x512xi32>
      %eq3A_225 = arith.constant 0 : i32
      %eq3A_226 = vector.broadcast %eq3A_225 : i32 to vector<64x512xi32>
      %eq3A_227 = arith.cmpi eq, %and3A_224, %eq3A_226 : vector<64x512xi32>
      %select_n3A_228 = arith.select %eq3A_227, %roll3A_219, %roll3A_221 : vector<64x512xi1>, vector<64x512xf32>
      %and3A_229 = arith.constant 16 : i32
      %and3A_230 = vector.broadcast %and3A_229 : i32 to vector<64x512xi32>
      %and3A_231 = arith.andi %iota3A_15, %and3A_230 : vector<64x512xi32>
      %eq3A_232 = arith.constant 0 : i32
      %eq3A_233 = vector.broadcast %eq3A_232 : i32 to vector<64x512xi32>
      %eq3A_234 = arith.cmpi eq, %and3A_231, %eq3A_233 : vector<64x512xi32>
      %eq3A_235 = arith.xori %eq3A_234, %eq3A_227 : vector<64x512xi1>
      %eq3A_236 = arith.constant dense<true> : vector<64x512xi1>
      %eq3A_237 = arith.xori %eq3A_235, %eq3A_236 : vector<64x512xi1>
      %max3A_238 = arith.maximumf %select_n3A_217, %select_n3A_228 : vector<64x512xf32>
      %min3A_239 = arith.minimumf %select_n3A_217, %select_n3A_228 : vector<64x512xf32>
      %select_n3A_240 = arith.select %eq3A_237, %max3A_238, %min3A_239 : vector<64x512xi1>, vector<64x512xf32>
      %roll3A_241 = arith.constant 496 : i32
      %roll3A_242 = tpu.dynamic_rotate %select_n3A_240 by %roll3A_241 dim 1 : vector<64x512xf32>, i32 -> vector<64x512xf32>
      %roll3A_243 = arith.constant 16 : i32
      %roll3A_244 = tpu.dynamic_rotate %select_n3A_240 by %roll3A_243 dim 1 : vector<64x512xf32>, i32 -> vector<64x512xf32>
      %and3A_245 = arith.constant 16 : i32
      %and3A_246 = vector.broadcast %and3A_245 : i32 to vector<64x512xi32>
      %and3A_247 = arith.andi %iota3A_15, %and3A_246 : vector<64x512xi32>
      %eq3A_248 = arith.constant 0 : i32
      %eq3A_249 = vector.broadcast %eq3A_248 : i32 to vector<64x512xi32>
      %eq3A_250 = arith.cmpi eq, %and3A_247, %eq3A_249 : vector<64x512xi32>
      %select_n3A_251 = arith.select %eq3A_250, %roll3A_242, %roll3A_244 : vector<64x512xi1>, vector<64x512xf32>
      %and3A_252 = arith.constant 32 : i32
      %and3A_253 = vector.broadcast %and3A_252 : i32 to vector<64x512xi32>
      %and3A_254 = arith.andi %iota3A_15, %and3A_253 : vector<64x512xi32>
      %eq3A_255 = arith.constant 0 : i32
      %eq3A_256 = vector.broadcast %eq3A_255 : i32 to vector<64x512xi32>
      %eq3A_257 = arith.cmpi eq, %and3A_254, %eq3A_256 : vector<64x512xi32>
      %eq3A_258 = arith.xori %eq3A_257, %eq3A_250 : vector<64x512xi1>
      %eq3A_259 = arith.constant dense<true> : vector<64x512xi1>
      %eq3A_260 = arith.xori %eq3A_258, %eq3A_259 : vector<64x512xi1>
      %max3A_261 = arith.maximumf %select_n3A_240, %select_n3A_251 : vector<64x512xf32>
      %min3A_262 = arith.minimumf %select_n3A_240, %select_n3A_251 : vector<64x512xf32>
      %select_n3A_263 = arith.select %eq3A_260, %max3A_261, %min3A_262 : vector<64x512xi1>, vector<64x512xf32>
      %roll3A_264 = arith.constant 504 : i32
      %roll3A_265 = tpu.dynamic_rotate %select_n3A_263 by %roll3A_264 dim 1 : vector<64x512xf32>, i32 -> vector<64x512xf32>
      %roll3A_266 = arith.constant 8 : i32
      %roll3A_267 = tpu.dynamic_rotate %select_n3A_263 by %roll3A_266 dim 1 : vector<64x512xf32>, i32 -> vector<64x512xf32>
      %and3A_268 = arith.constant 8 : i32
      %and3A_269 = vector.broadcast %and3A_268 : i32 to vector<64x512xi32>
      %and3A_270 = arith.andi %iota3A_15, %and3A_269 : vector<64x512xi32>
      %eq3A_271 = arith.constant 0 : i32
      %eq3A_272 = vector.broadcast %eq3A_271 : i32 to vector<64x512xi32>
      %eq3A_273 = arith.cmpi eq, %and3A_270, %eq3A_272 : vector<64x512xi32>
      %select_n3A_274 = arith.select %eq3A_273, %roll3A_265, %roll3A_267 : vector<64x512xi1>, vector<64x512xf32>
      %and3A_275 = arith.constant 32 : i32
      %and3A_276 = vector.broadcast %and3A_275 : i32 to vector<64x512xi32>
      %and3A_277 = arith.andi %iota3A_15, %and3A_276 : vector<64x512xi32>
      %eq3A_278 = arith.constant 0 : i32
      %eq3A_279 = vector.broadcast %eq3A_278 : i32 to vector<64x512xi32>
      %eq3A_280 = arith.cmpi eq, %and3A_277, %eq3A_279 : vector<64x512xi32>
      %eq3A_281 = arith.xori %eq3A_280, %eq3A_273 : vector<64x512xi1>
      %eq3A_282 = arith.constant dense<true> : vector<64x512xi1>
      %eq3A_283 = arith.xori %eq3A_281, %eq3A_282 : vector<64x512xi1>
      %max3A_284 = arith.maximumf %select_n3A_263, %select_n3A_274 : vector<64x512xf32>
      %min3A_285 = arith.minimumf %select_n3A_263, %select_n3A_274 : vector<64x512xf32>
      %select_n3A_286 = arith.select %eq3A_283, %max3A_284, %min3A_285 : vector<64x512xi1>, vector<64x512xf32>
      %roll3A_287 = arith.constant 508 : i32
      %roll3A_288 = tpu.dynamic_rotate %select_n3A_286 by %roll3A_287 dim 1 : vector<64x512xf32>, i32 -> vector<64x512xf32>
      %roll3A_289 = arith.constant 4 : i32
      %roll3A_290 = tpu.dynamic_rotate %select_n3A_286 by %roll3A_289 dim 1 : vector<64x512xf32>, i32 -> vector<64x512xf32>
      %and3A_291 = arith.constant 4 : i32
      %and3A_292 = vector.broadcast %and3A_291 : i32 to vector<64x512xi32>
      %and3A_293 = arith.andi %iota3A_15, %and3A_292 : vector<64x512xi32>
      %eq3A_294 = arith.constant 0 : i32
      %eq3A_295 = vector.broadcast %eq3A_294 : i32 to vector<64x512xi32>
      %eq3A_296 = arith.cmpi eq, %and3A_293, %eq3A_295 : vector<64x512xi32>
      %select_n3A_297 = arith.select %eq3A_296, %roll3A_288, %roll3A_290 : vector<64x512xi1>, vector<64x512xf32>
      %and3A_298 = arith.constant 32 : i32
      %and3A_299 = vector.broadcast %and3A_298 : i32 to vector<64x512xi32>
      %and3A_300 = arith.andi %iota3A_15, %and3A_299 : vector<64x512xi32>
      %eq3A_301 = arith.constant 0 : i32
      %eq3A_302 = vector.broadcast %eq3A_301 : i32 to vector<64x512xi32>
      %eq3A_303 = arith.cmpi eq, %and3A_300, %eq3A_302 : vector<64x512xi32>
      %eq3A_304 = arith.xori %eq3A_303, %eq3A_296 : vector<64x512xi1>
      %eq3A_305 = arith.constant dense<true> : vector<64x512xi1>
      %eq3A_306 = arith.xori %eq3A_304, %eq3A_305 : vector<64x512xi1>
      %max3A_307 = arith.maximumf %select_n3A_286, %select_n3A_297 : vector<64x512xf32>
      %min3A_308 = arith.minimumf %select_n3A_286, %select_n3A_297 : vector<64x512xf32>
      %select_n3A_309 = arith.select %eq3A_306, %max3A_307, %min3A_308 : vector<64x512xi1>, vector<64x512xf32>
      %roll3A_310 = arith.constant 510 : i32
      %roll3A_311 = tpu.dynamic_rotate %select_n3A_309 by %roll3A_310 dim 1 : vector<64x512xf32>, i32 -> vector<64x512xf32>
      %roll3A_312 = arith.constant 2 : i32
      %roll3A_313 = tpu.dynamic_rotate %select_n3A_309 by %roll3A_312 dim 1 : vector<64x512xf32>, i32 -> vector<64x512xf32>
      %and3A_314 = arith.constant 2 : i32
      %and3A_315 = vector.broadcast %and3A_314 : i32 to vector<64x512xi32>
      %and3A_316 = arith.andi %iota3A_15, %and3A_315 : vector<64x512xi32>
      %eq3A_317 = arith.constant 0 : i32
      %eq3A_318 = vector.broadcast %eq3A_317 : i32 to vector<64x512xi32>
      %eq3A_319 = arith.cmpi eq, %and3A_316, %eq3A_318 : vector<64x512xi32>
      %select_n3A_320 = arith.select %eq3A_319, %roll3A_311, %roll3A_313 : vector<64x512xi1>, vector<64x512xf32>
      %and3A_321 = arith.constant 32 : i32
      %and3A_322 = vector.broadcast %and3A_321 : i32 to vector<64x512xi32>
      %and3A_323 = arith.andi %iota3A_15, %and3A_322 : vector<64x512xi32>
      %eq3A_324 = arith.constant 0 : i32
      %eq3A_325 = vector.broadcast %eq3A_324 : i32 to vector<64x512xi32>
      %eq3A_326 = arith.cmpi eq, %and3A_323, %eq3A_325 : vector<64x512xi32>
      %eq3A_327 = arith.xori %eq3A_326, %eq3A_319 : vector<64x512xi1>
      %eq3A_328 = arith.constant dense<true> : vector<64x512xi1>
      %eq3A_329 = arith.xori %eq3A_327, %eq3A_328 : vector<64x512xi1>
      %max3A_330 = arith.maximumf %select_n3A_309, %select_n3A_320 : vector<64x512xf32>
      %min3A_331 = arith.minimumf %select_n3A_309, %select_n3A_320 : vector<64x512xf32>
      %select_n3A_332 = arith.select %eq3A_329, %max3A_330, %min3A_331 : vector<64x512xi1>, vector<64x512xf32>
      %roll3A_333 = arith.constant 511 : i32
      %roll3A_334 = tpu.dynamic_rotate %select_n3A_332 by %roll3A_333 dim 1 : vector<64x512xf32>, i32 -> vector<64x512xf32>
      %roll3A_335 = arith.constant 1 : i32
      %roll3A_336 = tpu.dynamic_rotate %select_n3A_332 by %roll3A_335 dim 1 : vector<64x512xf32>, i32 -> vector<64x512xf32>
      %and3A_337 = arith.constant 1 : i32
      %and3A_338 = vector.broadcast %and3A_337 : i32 to vector<64x512xi32>
      %and3A_339 = arith.andi %iota3A_15, %and3A_338 : vector<64x512xi32>
      %eq3A_340 = arith.constant 0 : i32
      %eq3A_341 = vector.broadcast %eq3A_340 : i32 to vector<64x512xi32>
      %eq3A_342 = arith.cmpi eq, %and3A_339, %eq3A_341 : vector<64x512xi32>
      %select_n3A_343 = arith.select %eq3A_342, %roll3A_334, %roll3A_336 : vector<64x512xi1>, vector<64x512xf32>
      %and3A_344 = arith.constant 32 : i32
      %and3A_345 = vector.broadcast %and3A_344 : i32 to vector<64x512xi32>
      %and3A_346 = arith.andi %iota3A_15, %and3A_345 : vector<64x512xi32>
      %eq3A_347 = arith.constant 0 : i32
      %eq3A_348 = vector.broadcast %eq3A_347 : i32 to vector<64x512xi32>
      %eq3A_349 = arith.cmpi eq, %and3A_346, %eq3A_348 : vector<64x512xi32>
      %eq3A_350 = arith.xori %eq3A_349, %eq3A_342 : vector<64x512xi1>
      %eq3A_351 = arith.constant dense<true> : vector<64x512xi1>
      %eq3A_352 = arith.xori %eq3A_350, %eq3A_351 : vector<64x512xi1>
      %max3A_353 = arith.maximumf %select_n3A_332, %select_n3A_343 : vector<64x512xf32>
      %min3A_354 = arith.minimumf %select_n3A_332, %select_n3A_343 : vector<64x512xf32>
      %select_n3A_355 = arith.select %eq3A_352, %max3A_353, %min3A_354 : vector<64x512xi1>, vector<64x512xf32>
      %roll3A_356 = arith.constant 480 : i32
      %roll3A_357 = tpu.dynamic_rotate %select_n3A_355 by %roll3A_356 dim 1 : vector<64x512xf32>, i32 -> vector<64x512xf32>
      %roll3A_358 = arith.constant 32 : i32
      %roll3A_359 = tpu.dynamic_rotate %select_n3A_355 by %roll3A_358 dim 1 : vector<64x512xf32>, i32 -> vector<64x512xf32>
      %and3A_360 = arith.constant 32 : i32
      %and3A_361 = vector.broadcast %and3A_360 : i32 to vector<64x512xi32>
      %and3A_362 = arith.andi %iota3A_15, %and3A_361 : vector<64x512xi32>
      %eq3A_363 = arith.constant 0 : i32
      %eq3A_364 = vector.broadcast %eq3A_363 : i32 to vector<64x512xi32>
      %eq3A_365 = arith.cmpi eq, %and3A_362, %eq3A_364 : vector<64x512xi32>
      %select_n3A_366 = arith.select %eq3A_365, %roll3A_357, %roll3A_359 : vector<64x512xi1>, vector<64x512xf32>
      %and3A_367 = arith.constant 64 : i32
      %and3A_368 = vector.broadcast %and3A_367 : i32 to vector<64x512xi32>
      %and3A_369 = arith.andi %iota3A_15, %and3A_368 : vector<64x512xi32>
      %eq3A_370 = arith.constant 0 : i32
      %eq3A_371 = vector.broadcast %eq3A_370 : i32 to vector<64x512xi32>
      %eq3A_372 = arith.cmpi eq, %and3A_369, %eq3A_371 : vector<64x512xi32>
      %eq3A_373 = arith.xori %eq3A_372, %eq3A_365 : vector<64x512xi1>
      %eq3A_374 = arith.constant dense<true> : vector<64x512xi1>
      %eq3A_375 = arith.xori %eq3A_373, %eq3A_374 : vector<64x512xi1>
      %max3A_376 = arith.maximumf %select_n3A_355, %select_n3A_366 : vector<64x512xf32>
      %min3A_377 = arith.minimumf %select_n3A_355, %select_n3A_366 : vector<64x512xf32>
      %select_n3A_378 = arith.select %eq3A_375, %max3A_376, %min3A_377 : vector<64x512xi1>, vector<64x512xf32>
      %roll3A_379 = arith.constant 496 : i32
      %roll3A_380 = tpu.dynamic_rotate %select_n3A_378 by %roll3A_379 dim 1 : vector<64x512xf32>, i32 -> vector<64x512xf32>
      %roll3A_381 = arith.constant 16 : i32
      %roll3A_382 = tpu.dynamic_rotate %select_n3A_378 by %roll3A_381 dim 1 : vector<64x512xf32>, i32 -> vector<64x512xf32>
      %and3A_383 = arith.constant 16 : i32
      %and3A_384 = vector.broadcast %and3A_383 : i32 to vector<64x512xi32>
      %and3A_385 = arith.andi %iota3A_15, %and3A_384 : vector<64x512xi32>
      %eq3A_386 = arith.constant 0 : i32
      %eq3A_387 = vector.broadcast %eq3A_386 : i32 to vector<64x512xi32>
      %eq3A_388 = arith.cmpi eq, %and3A_385, %eq3A_387 : vector<64x512xi32>
      %select_n3A_389 = arith.select %eq3A_388, %roll3A_380, %roll3A_382 : vector<64x512xi1>, vector<64x512xf32>
      %and3A_390 = arith.constant 64 : i32
      %and3A_391 = vector.broadcast %and3A_390 : i32 to vector<64x512xi32>
      %and3A_392 = arith.andi %iota3A_15, %and3A_391 : vector<64x512xi32>
      %eq3A_393 = arith.constant 0 : i32
      %eq3A_394 = vector.broadcast %eq3A_393 : i32 to vector<64x512xi32>
      %eq3A_395 = arith.cmpi eq, %and3A_392, %eq3A_394 : vector<64x512xi32>
      %eq3A_396 = arith.xori %eq3A_395, %eq3A_388 : vector<64x512xi1>
      %eq3A_397 = arith.constant dense<true> : vector<64x512xi1>
      %eq3A_398 = arith.xori %eq3A_396, %eq3A_397 : vector<64x512xi1>
      %max3A_399 = arith.maximumf %select_n3A_378, %select_n3A_389 : vector<64x512xf32>
      %min3A_400 = arith.minimumf %select_n3A_378, %select_n3A_389 : vector<64x512xf32>
      %select_n3A_401 = arith.select %eq3A_398, %max3A_399, %min3A_400 : vector<64x512xi1>, vector<64x512xf32>
      %roll3A_402 = arith.constant 504 : i32
      %roll3A_403 = tpu.dynamic_rotate %select_n3A_401 by %roll3A_402 dim 1 : vector<64x512xf32>, i32 -> vector<64x512xf32>
      %roll3A_404 = arith.constant 8 : i32
      %roll3A_405 = tpu.dynamic_rotate %select_n3A_401 by %roll3A_404 dim 1 : vector<64x512xf32>, i32 -> vector<64x512xf32>
      %and3A_406 = arith.constant 8 : i32
      %and3A_407 = vector.broadcast %and3A_406 : i32 to vector<64x512xi32>
      %and3A_408 = arith.andi %iota3A_15, %and3A_407 : vector<64x512xi32>
      %eq3A_409 = arith.constant 0 : i32
      %eq3A_410 = vector.broadcast %eq3A_409 : i32 to vector<64x512xi32>
      %eq3A_411 = arith.cmpi eq, %and3A_408, %eq3A_410 : vector<64x512xi32>
      %select_n3A_412 = arith.select %eq3A_411, %roll3A_403, %roll3A_405 : vector<64x512xi1>, vector<64x512xf32>
      %and3A_413 = arith.constant 64 : i32
      %and3A_414 = vector.broadcast %and3A_413 : i32 to vector<64x512xi32>
      %and3A_415 = arith.andi %iota3A_15, %and3A_414 : vector<64x512xi32>
      %eq3A_416 = arith.constant 0 : i32
      %eq3A_417 = vector.broadcast %eq3A_416 : i32 to vector<64x512xi32>
      %eq3A_418 = arith.cmpi eq, %and3A_415, %eq3A_417 : vector<64x512xi32>
      %eq3A_419 = arith.xori %eq3A_418, %eq3A_411 : vector<64x512xi1>
      %eq3A_420 = arith.constant dense<true> : vector<64x512xi1>
      %eq3A_421 = arith.xori %eq3A_419, %eq3A_420 : vector<64x512xi1>
      %max3A_422 = arith.maximumf %select_n3A_401, %select_n3A_412 : vector<64x512xf32>
      %min3A_423 = arith.minimumf %select_n3A_401, %select_n3A_412 : vector<64x512xf32>
      %select_n3A_424 = arith.select %eq3A_421, %max3A_422, %min3A_423 : vector<64x512xi1>, vector<64x512xf32>
      %roll3A_425 = arith.constant 508 : i32
      %roll3A_426 = tpu.dynamic_rotate %select_n3A_424 by %roll3A_425 dim 1 : vector<64x512xf32>, i32 -> vector<64x512xf32>
      %roll3A_427 = arith.constant 4 : i32
      %roll3A_428 = tpu.dynamic_rotate %select_n3A_424 by %roll3A_427 dim 1 : vector<64x512xf32>, i32 -> vector<64x512xf32>
      %and3A_429 = arith.constant 4 : i32
      %and3A_430 = vector.broadcast %and3A_429 : i32 to vector<64x512xi32>
      %and3A_431 = arith.andi %iota3A_15, %and3A_430 : vector<64x512xi32>
      %eq3A_432 = arith.constant 0 : i32
      %eq3A_433 = vector.broadcast %eq3A_432 : i32 to vector<64x512xi32>
      %eq3A_434 = arith.cmpi eq, %and3A_431, %eq3A_433 : vector<64x512xi32>
      %select_n3A_435 = arith.select %eq3A_434, %roll3A_426, %roll3A_428 : vector<64x512xi1>, vector<64x512xf32>
      %and3A_436 = arith.constant 64 : i32
      %and3A_437 = vector.broadcast %and3A_436 : i32 to vector<64x512xi32>
      %and3A_438 = arith.andi %iota3A_15, %and3A_437 : vector<64x512xi32>
      %eq3A_439 = arith.constant 0 : i32
      %eq3A_440 = vector.broadcast %eq3A_439 : i32 to vector<64x512xi32>
      %eq3A_441 = arith.cmpi eq, %and3A_438, %eq3A_440 : vector<64x512xi32>
      %eq3A_442 = arith.xori %eq3A_441, %eq3A_434 : vector<64x512xi1>
      %eq3A_443 = arith.constant dense<true> : vector<64x512xi1>
      %eq3A_444 = arith.xori %eq3A_442, %eq3A_443 : vector<64x512xi1>
      %max3A_445 = arith.maximumf %select_n3A_424, %select_n3A_435 : vector<64x512xf32>
      %min3A_446 = arith.minimumf %select_n3A_424, %select_n3A_435 : vector<64x512xf32>
      %select_n3A_447 = arith.select %eq3A_444, %max3A_445, %min3A_446 : vector<64x512xi1>, vector<64x512xf32>
      %roll3A_448 = arith.constant 510 : i32
      %roll3A_449 = tpu.dynamic_rotate %select_n3A_447 by %roll3A_448 dim 1 : vector<64x512xf32>, i32 -> vector<64x512xf32>
      %roll3A_450 = arith.constant 2 : i32
      %roll3A_451 = tpu.dynamic_rotate %select_n3A_447 by %roll3A_450 dim 1 : vector<64x512xf32>, i32 -> vector<64x512xf32>
      %and3A_452 = arith.constant 2 : i32
      %and3A_453 = vector.broadcast %and3A_452 : i32 to vector<64x512xi32>
      %and3A_454 = arith.andi %iota3A_15, %and3A_453 : vector<64x512xi32>
      %eq3A_455 = arith.constant 0 : i32
      %eq3A_456 = vector.broadcast %eq3A_455 : i32 to vector<64x512xi32>
      %eq3A_457 = arith.cmpi eq, %and3A_454, %eq3A_456 : vector<64x512xi32>
      %select_n3A_458 = arith.select %eq3A_457, %roll3A_449, %roll3A_451 : vector<64x512xi1>, vector<64x512xf32>
      %and3A_459 = arith.constant 64 : i32
      %and3A_460 = vector.broadcast %and3A_459 : i32 to vector<64x512xi32>
      %and3A_461 = arith.andi %iota3A_15, %and3A_460 : vector<64x512xi32>
      %eq3A_462 = arith.constant 0 : i32
      %eq3A_463 = vector.broadcast %eq3A_462 : i32 to vector<64x512xi32>
      %eq3A_464 = arith.cmpi eq, %and3A_461, %eq3A_463 : vector<64x512xi32>
      %eq3A_465 = arith.xori %eq3A_464, %eq3A_457 : vector<64x512xi1>
      %eq3A_466 = arith.constant dense<true> : vector<64x512xi1>
      %eq3A_467 = arith.xori %eq3A_465, %eq3A_466 : vector<64x512xi1>
      %max3A_468 = arith.maximumf %select_n3A_447, %select_n3A_458 : vector<64x512xf32>
      %min3A_469 = arith.minimumf %select_n3A_447, %select_n3A_458 : vector<64x512xf32>
      %select_n3A_470 = arith.select %eq3A_467, %max3A_468, %min3A_469 : vector<64x512xi1>, vector<64x512xf32>
      %roll3A_471 = arith.constant 511 : i32
      %roll3A_472 = tpu.dynamic_rotate %select_n3A_470 by %roll3A_471 dim 1 : vector<64x512xf32>, i32 -> vector<64x512xf32>
      %roll3A_473 = arith.constant 1 : i32
      %roll3A_474 = tpu.dynamic_rotate %select_n3A_470 by %roll3A_473 dim 1 : vector<64x512xf32>, i32 -> vector<64x512xf32>
      %and3A_475 = arith.constant 1 : i32
      %and3A_476 = vector.broadcast %and3A_475 : i32 to vector<64x512xi32>
      %and3A_477 = arith.andi %iota3A_15, %and3A_476 : vector<64x512xi32>
      %eq3A_478 = arith.constant 0 : i32
      %eq3A_479 = vector.broadcast %eq3A_478 : i32 to vector<64x512xi32>
      %eq3A_480 = arith.cmpi eq, %and3A_477, %eq3A_479 : vector<64x512xi32>
      %select_n3A_481 = arith.select %eq3A_480, %roll3A_472, %roll3A_474 : vector<64x512xi1>, vector<64x512xf32>
      %and3A_482 = arith.constant 64 : i32
      %and3A_483 = vector.broadcast %and3A_482 : i32 to vector<64x512xi32>
      %and3A_484 = arith.andi %iota3A_15, %and3A_483 : vector<64x512xi32>
      %eq3A_485 = arith.constant 0 : i32
      %eq3A_486 = vector.broadcast %eq3A_485 : i32 to vector<64x512xi32>
      %eq3A_487 = arith.cmpi eq, %and3A_484, %eq3A_486 : vector<64x512xi32>
      %eq3A_488 = arith.xori %eq3A_487, %eq3A_480 : vector<64x512xi1>
      %eq3A_489 = arith.constant dense<true> : vector<64x512xi1>
      %eq3A_490 = arith.xori %eq3A_488, %eq3A_489 : vector<64x512xi1>
      %max3A_491 = arith.maximumf %select_n3A_470, %select_n3A_481 : vector<64x512xf32>
      %min3A_492 = arith.minimumf %select_n3A_470, %select_n3A_481 : vector<64x512xf32>
      %select_n3A_493 = arith.select %eq3A_490, %max3A_491, %min3A_492 : vector<64x512xi1>, vector<64x512xf32>
      %roll3A_494 = arith.constant 448 : i32
      %roll3A_495 = tpu.dynamic_rotate %select_n3A_493 by %roll3A_494 dim 1 : vector<64x512xf32>, i32 -> vector<64x512xf32>
      %roll3A_496 = arith.constant 64 : i32
      %roll3A_497 = tpu.dynamic_rotate %select_n3A_493 by %roll3A_496 dim 1 : vector<64x512xf32>, i32 -> vector<64x512xf32>
      %and3A_498 = arith.constant 64 : i32
      %and3A_499 = vector.broadcast %and3A_498 : i32 to vector<64x512xi32>
      %and3A_500 = arith.andi %iota3A_15, %and3A_499 : vector<64x512xi32>
      %eq3A_501 = arith.constant 0 : i32
      %eq3A_502 = vector.broadcast %eq3A_501 : i32 to vector<64x512xi32>
      %eq3A_503 = arith.cmpi eq, %and3A_500, %eq3A_502 : vector<64x512xi32>
      %select_n3A_504 = arith.select %eq3A_503, %roll3A_495, %roll3A_497 : vector<64x512xi1>, vector<64x512xf32>
      %and3A_505 = arith.constant 128 : i32
      %and3A_506 = vector.broadcast %and3A_505 : i32 to vector<64x512xi32>
      %and3A_507 = arith.andi %iota3A_15, %and3A_506 : vector<64x512xi32>
      %eq3A_508 = arith.constant 0 : i32
      %eq3A_509 = vector.broadcast %eq3A_508 : i32 to vector<64x512xi32>
      %eq3A_510 = arith.cmpi eq, %and3A_507, %eq3A_509 : vector<64x512xi32>
      %eq3A_511 = arith.xori %eq3A_510, %eq3A_503 : vector<64x512xi1>
      %eq3A_512 = arith.constant dense<true> : vector<64x512xi1>
      %eq3A_513 = arith.xori %eq3A_511, %eq3A_512 : vector<64x512xi1>
      %max3A_514 = arith.maximumf %select_n3A_493, %select_n3A_504 : vector<64x512xf32>
      %min3A_515 = arith.minimumf %select_n3A_493, %select_n3A_504 : vector<64x512xf32>
      %select_n3A_516 = arith.select %eq3A_513, %max3A_514, %min3A_515 : vector<64x512xi1>, vector<64x512xf32>
      %roll3A_517 = arith.constant 480 : i32
      %roll3A_518 = tpu.dynamic_rotate %select_n3A_516 by %roll3A_517 dim 1 : vector<64x512xf32>, i32 -> vector<64x512xf32>
      %roll3A_519 = arith.constant 32 : i32
      %roll3A_520 = tpu.dynamic_rotate %select_n3A_516 by %roll3A_519 dim 1 : vector<64x512xf32>, i32 -> vector<64x512xf32>
      %and3A_521 = arith.constant 32 : i32
      %and3A_522 = vector.broadcast %and3A_521 : i32 to vector<64x512xi32>
      %and3A_523 = arith.andi %iota3A_15, %and3A_522 : vector<64x512xi32>
      %eq3A_524 = arith.constant 0 : i32
      %eq3A_525 = vector.broadcast %eq3A_524 : i32 to vector<64x512xi32>
      %eq3A_526 = arith.cmpi eq, %and3A_523, %eq3A_525 : vector<64x512xi32>
      %select_n3A_527 = arith.select %eq3A_526, %roll3A_518, %roll3A_520 : vector<64x512xi1>, vector<64x512xf32>
      %and3A_528 = arith.constant 128 : i32
      %and3A_529 = vector.broadcast %and3A_528 : i32 to vector<64x512xi32>
      %and3A_530 = arith.andi %iota3A_15, %and3A_529 : vector<64x512xi32>
      %eq3A_531 = arith.constant 0 : i32
      %eq3A_532 = vector.broadcast %eq3A_531 : i32 to vector<64x512xi32>
      %eq3A_533 = arith.cmpi eq, %and3A_530, %eq3A_532 : vector<64x512xi32>
      %eq3A_534 = arith.xori %eq3A_533, %eq3A_526 : vector<64x512xi1>
      %eq3A_535 = arith.constant dense<true> : vector<64x512xi1>
      %eq3A_536 = arith.xori %eq3A_534, %eq3A_535 : vector<64x512xi1>
      %max3A_537 = arith.maximumf %select_n3A_516, %select_n3A_527 : vector<64x512xf32>
      %min3A_538 = arith.minimumf %select_n3A_516, %select_n3A_527 : vector<64x512xf32>
      %select_n3A_539 = arith.select %eq3A_536, %max3A_537, %min3A_538 : vector<64x512xi1>, vector<64x512xf32>
      %roll3A_540 = arith.constant 496 : i32
      %roll3A_541 = tpu.dynamic_rotate %select_n3A_539 by %roll3A_540 dim 1 : vector<64x512xf32>, i32 -> vector<64x512xf32>
      %roll3A_542 = arith.constant 16 : i32
      %roll3A_543 = tpu.dynamic_rotate %select_n3A_539 by %roll3A_542 dim 1 : vector<64x512xf32>, i32 -> vector<64x512xf32>
      %and3A_544 = arith.constant 16 : i32
      %and3A_545 = vector.broadcast %and3A_544 : i32 to vector<64x512xi32>
      %and3A_546 = arith.andi %iota3A_15, %and3A_545 : vector<64x512xi32>
      %eq3A_547 = arith.constant 0 : i32
      %eq3A_548 = vector.broadcast %eq3A_547 : i32 to vector<64x512xi32>
      %eq3A_549 = arith.cmpi eq, %and3A_546, %eq3A_548 : vector<64x512xi32>
      %select_n3A_550 = arith.select %eq3A_549, %roll3A_541, %roll3A_543 : vector<64x512xi1>, vector<64x512xf32>
      %and3A_551 = arith.constant 128 : i32
      %and3A_552 = vector.broadcast %and3A_551 : i32 to vector<64x512xi32>
      %and3A_553 = arith.andi %iota3A_15, %and3A_552 : vector<64x512xi32>
      %eq3A_554 = arith.constant 0 : i32
      %eq3A_555 = vector.broadcast %eq3A_554 : i32 to vector<64x512xi32>
      %eq3A_556 = arith.cmpi eq, %and3A_553, %eq3A_555 : vector<64x512xi32>
      %eq3A_557 = arith.xori %eq3A_556, %eq3A_549 : vector<64x512xi1>
      %eq3A_558 = arith.constant dense<true> : vector<64x512xi1>
      %eq3A_559 = arith.xori %eq3A_557, %eq3A_558 : vector<64x512xi1>
      %max3A_560 = arith.maximumf %select_n3A_539, %select_n3A_550 : vector<64x512xf32>
      %min3A_561 = arith.minimumf %select_n3A_539, %select_n3A_550 : vector<64x512xf32>
      %select_n3A_562 = arith.select %eq3A_559, %max3A_560, %min3A_561 : vector<64x512xi1>, vector<64x512xf32>
      %roll3A_563 = arith.constant 504 : i32
      %roll3A_564 = tpu.dynamic_rotate %select_n3A_562 by %roll3A_563 dim 1 : vector<64x512xf32>, i32 -> vector<64x512xf32>
      %roll3A_565 = arith.constant 8 : i32
      %roll3A_566 = tpu.dynamic_rotate %select_n3A_562 by %roll3A_565 dim 1 : vector<64x512xf32>, i32 -> vector<64x512xf32>
      %and3A_567 = arith.constant 8 : i32
      %and3A_568 = vector.broadcast %and3A_567 : i32 to vector<64x512xi32>
      %and3A_569 = arith.andi %iota3A_15, %and3A_568 : vector<64x512xi32>
      %eq3A_570 = arith.constant 0 : i32
      %eq3A_571 = vector.broadcast %eq3A_570 : i32 to vector<64x512xi32>
      %eq3A_572 = arith.cmpi eq, %and3A_569, %eq3A_571 : vector<64x512xi32>
      %select_n3A_573 = arith.select %eq3A_572, %roll3A_564, %roll3A_566 : vector<64x512xi1>, vector<64x512xf32>
      %and3A_574 = arith.constant 128 : i32
      %and3A_575 = vector.broadcast %and3A_574 : i32 to vector<64x512xi32>
      %and3A_576 = arith.andi %iota3A_15, %and3A_575 : vector<64x512xi32>
      %eq3A_577 = arith.constant 0 : i32
      %eq3A_578 = vector.broadcast %eq3A_577 : i32 to vector<64x512xi32>
      %eq3A_579 = arith.cmpi eq, %and3A_576, %eq3A_578 : vector<64x512xi32>
      %eq3A_580 = arith.xori %eq3A_579, %eq3A_572 : vector<64x512xi1>
      %eq3A_581 = arith.constant dense<true> : vector<64x512xi1>
      %eq3A_582 = arith.xori %eq3A_580, %eq3A_581 : vector<64x512xi1>
      %max3A_583 = arith.maximumf %select_n3A_562, %select_n3A_573 : vector<64x512xf32>
      %min3A_584 = arith.minimumf %select_n3A_562, %select_n3A_573 : vector<64x512xf32>
      %select_n3A_585 = arith.select %eq3A_582, %max3A_583, %min3A_584 : vector<64x512xi1>, vector<64x512xf32>
      %roll3A_586 = arith.constant 508 : i32
      %roll3A_587 = tpu.dynamic_rotate %select_n3A_585 by %roll3A_586 dim 1 : vector<64x512xf32>, i32 -> vector<64x512xf32>
      %roll3A_588 = arith.constant 4 : i32
      %roll3A_589 = tpu.dynamic_rotate %select_n3A_585 by %roll3A_588 dim 1 : vector<64x512xf32>, i32 -> vector<64x512xf32>
      %and3A_590 = arith.constant 4 : i32
      %and3A_591 = vector.broadcast %and3A_590 : i32 to vector<64x512xi32>
      %and3A_592 = arith.andi %iota3A_15, %and3A_591 : vector<64x512xi32>
      %eq3A_593 = arith.constant 0 : i32
      %eq3A_594 = vector.broadcast %eq3A_593 : i32 to vector<64x512xi32>
      %eq3A_595 = arith.cmpi eq, %and3A_592, %eq3A_594 : vector<64x512xi32>
      %select_n3A_596 = arith.select %eq3A_595, %roll3A_587, %roll3A_589 : vector<64x512xi1>, vector<64x512xf32>
      %and3A_597 = arith.constant 128 : i32
      %and3A_598 = vector.broadcast %and3A_597 : i32 to vector<64x512xi32>
      %and3A_599 = arith.andi %iota3A_15, %and3A_598 : vector<64x512xi32>
      %eq3A_600 = arith.constant 0 : i32
      %eq3A_601 = vector.broadcast %eq3A_600 : i32 to vector<64x512xi32>
      %eq3A_602 = arith.cmpi eq, %and3A_599, %eq3A_601 : vector<64x512xi32>
      %eq3A_603 = arith.xori %eq3A_602, %eq3A_595 : vector<64x512xi1>
      %eq3A_604 = arith.constant dense<true> : vector<64x512xi1>
      %eq3A_605 = arith.xori %eq3A_603, %eq3A_604 : vector<64x512xi1>
      %max3A_606 = arith.maximumf %select_n3A_585, %select_n3A_596 : vector<64x512xf32>
      %min3A_607 = arith.minimumf %select_n3A_585, %select_n3A_596 : vector<64x512xf32>
      %select_n3A_608 = arith.select %eq3A_605, %max3A_606, %min3A_607 : vector<64x512xi1>, vector<64x512xf32>
      %roll3A_609 = arith.constant 510 : i32
      %roll3A_610 = tpu.dynamic_rotate %select_n3A_608 by %roll3A_609 dim 1 : vector<64x512xf32>, i32 -> vector<64x512xf32>
      %roll3A_611 = arith.constant 2 : i32
      %roll3A_612 = tpu.dynamic_rotate %select_n3A_608 by %roll3A_611 dim 1 : vector<64x512xf32>, i32 -> vector<64x512xf32>
      %and3A_613 = arith.constant 2 : i32
      %and3A_614 = vector.broadcast %and3A_613 : i32 to vector<64x512xi32>
      %and3A_615 = arith.andi %iota3A_15, %and3A_614 : vector<64x512xi32>
      %eq3A_616 = arith.constant 0 : i32
      %eq3A_617 = vector.broadcast %eq3A_616 : i32 to vector<64x512xi32>
      %eq3A_618 = arith.cmpi eq, %and3A_615, %eq3A_617 : vector<64x512xi32>
      %select_n3A_619 = arith.select %eq3A_618, %roll3A_610, %roll3A_612 : vector<64x512xi1>, vector<64x512xf32>
      %and3A_620 = arith.constant 128 : i32
      %and3A_621 = vector.broadcast %and3A_620 : i32 to vector<64x512xi32>
      %and3A_622 = arith.andi %iota3A_15, %and3A_621 : vector<64x512xi32>
      %eq3A_623 = arith.constant 0 : i32
      %eq3A_624 = vector.broadcast %eq3A_623 : i32 to vector<64x512xi32>
      %eq3A_625 = arith.cmpi eq, %and3A_622, %eq3A_624 : vector<64x512xi32>
      %eq3A_626 = arith.xori %eq3A_625, %eq3A_618 : vector<64x512xi1>
      %eq3A_627 = arith.constant dense<true> : vector<64x512xi1>
      %eq3A_628 = arith.xori %eq3A_626, %eq3A_627 : vector<64x512xi1>
      %max3A_629 = arith.maximumf %select_n3A_608, %select_n3A_619 : vector<64x512xf32>
      %min3A_630 = arith.minimumf %select_n3A_608, %select_n3A_619 : vector<64x512xf32>
      %select_n3A_631 = arith.select %eq3A_628, %max3A_629, %min3A_630 : vector<64x512xi1>, vector<64x512xf32>
      %roll3A_632 = arith.constant 511 : i32
      %roll3A_633 = tpu.dynamic_rotate %select_n3A_631 by %roll3A_632 dim 1 : vector<64x512xf32>, i32 -> vector<64x512xf32>
      %roll3A_634 = arith.constant 1 : i32
      %roll3A_635 = tpu.dynamic_rotate %select_n3A_631 by %roll3A_634 dim 1 : vector<64x512xf32>, i32 -> vector<64x512xf32>
      %and3A_636 = arith.constant 1 : i32
      %and3A_637 = vector.broadcast %and3A_636 : i32 to vector<64x512xi32>
      %and3A_638 = arith.andi %iota3A_15, %and3A_637 : vector<64x512xi32>
      %eq3A_639 = arith.constant 0 : i32
      %eq3A_640 = vector.broadcast %eq3A_639 : i32 to vector<64x512xi32>
      %eq3A_641 = arith.cmpi eq, %and3A_638, %eq3A_640 : vector<64x512xi32>
      %select_n3A_642 = arith.select %eq3A_641, %roll3A_633, %roll3A_635 : vector<64x512xi1>, vector<64x512xf32>
      %and3A_643 = arith.constant 128 : i32
      %and3A_644 = vector.broadcast %and3A_643 : i32 to vector<64x512xi32>
      %and3A_645 = arith.andi %iota3A_15, %and3A_644 : vector<64x512xi32>
      %eq3A_646 = arith.constant 0 : i32
      %eq3A_647 = vector.broadcast %eq3A_646 : i32 to vector<64x512xi32>
      %eq3A_648 = arith.cmpi eq, %and3A_645, %eq3A_647 : vector<64x512xi32>
      %eq3A_649 = arith.xori %eq3A_648, %eq3A_641 : vector<64x512xi1>
      %eq3A_650 = arith.constant dense<true> : vector<64x512xi1>
      %eq3A_651 = arith.xori %eq3A_649, %eq3A_650 : vector<64x512xi1>
      %max3A_652 = arith.maximumf %select_n3A_631, %select_n3A_642 : vector<64x512xf32>
      %min3A_653 = arith.minimumf %select_n3A_631, %select_n3A_642 : vector<64x512xf32>
      %select_n3A_654 = arith.select %eq3A_651, %max3A_652, %min3A_653 : vector<64x512xi1>, vector<64x512xf32>
      %roll3A_655 = arith.constant 384 : i32
      %roll3A_656 = tpu.dynamic_rotate %select_n3A_654 by %roll3A_655 dim 1 : vector<64x512xf32>, i32 -> vector<64x512xf32>
      %roll3A_657 = arith.constant 128 : i32
      %roll3A_658 = tpu.dynamic_rotate %select_n3A_654 by %roll3A_657 dim 1 : vector<64x512xf32>, i32 -> vector<64x512xf32>
      %and3A_659 = arith.constant 128 : i32
      %and3A_660 = vector.broadcast %and3A_659 : i32 to vector<64x512xi32>
      %and3A_661 = arith.andi %iota3A_15, %and3A_660 : vector<64x512xi32>
      %eq3A_662 = arith.constant 0 : i32
      %eq3A_663 = vector.broadcast %eq3A_662 : i32 to vector<64x512xi32>
      %eq3A_664 = arith.cmpi eq, %and3A_661, %eq3A_663 : vector<64x512xi32>
      %select_n3A_665 = arith.select %eq3A_664, %roll3A_656, %roll3A_658 : vector<64x512xi1>, vector<64x512xf32>
      %and3A_666 = arith.constant 256 : i32
      %and3A_667 = vector.broadcast %and3A_666 : i32 to vector<64x512xi32>
      %and3A_668 = arith.andi %iota3A_15, %and3A_667 : vector<64x512xi32>
      %eq3A_669 = arith.constant 0 : i32
      %eq3A_670 = vector.broadcast %eq3A_669 : i32 to vector<64x512xi32>
      %eq3A_671 = arith.cmpi eq, %and3A_668, %eq3A_670 : vector<64x512xi32>
      %eq3A_672 = arith.xori %eq3A_671, %eq3A_664 : vector<64x512xi1>
      %eq3A_673 = arith.constant dense<true> : vector<64x512xi1>
      %eq3A_674 = arith.xori %eq3A_672, %eq3A_673 : vector<64x512xi1>
      %max3A_675 = arith.maximumf %select_n3A_654, %select_n3A_665 : vector<64x512xf32>
      %min3A_676 = arith.minimumf %select_n3A_654, %select_n3A_665 : vector<64x512xf32>
      %select_n3A_677 = arith.select %eq3A_674, %max3A_675, %min3A_676 : vector<64x512xi1>, vector<64x512xf32>
      %roll3A_678 = arith.constant 448 : i32
      %roll3A_679 = tpu.dynamic_rotate %select_n3A_677 by %roll3A_678 dim 1 : vector<64x512xf32>, i32 -> vector<64x512xf32>
      %roll3A_680 = arith.constant 64 : i32
      %roll3A_681 = tpu.dynamic_rotate %select_n3A_677 by %roll3A_680 dim 1 : vector<64x512xf32>, i32 -> vector<64x512xf32>
      %and3A_682 = arith.constant 64 : i32
      %and3A_683 = vector.broadcast %and3A_682 : i32 to vector<64x512xi32>
      %and3A_684 = arith.andi %iota3A_15, %and3A_683 : vector<64x512xi32>
      %eq3A_685 = arith.constant 0 : i32
      %eq3A_686 = vector.broadcast %eq3A_685 : i32 to vector<64x512xi32>
      %eq3A_687 = arith.cmpi eq, %and3A_684, %eq3A_686 : vector<64x512xi32>
      %select_n3A_688 = arith.select %eq3A_687, %roll3A_679, %roll3A_681 : vector<64x512xi1>, vector<64x512xf32>
      %and3A_689 = arith.constant 256 : i32
      %and3A_690 = vector.broadcast %and3A_689 : i32 to vector<64x512xi32>
      %and3A_691 = arith.andi %iota3A_15, %and3A_690 : vector<64x512xi32>
      %eq3A_692 = arith.constant 0 : i32
      %eq3A_693 = vector.broadcast %eq3A_692 : i32 to vector<64x512xi32>
      %eq3A_694 = arith.cmpi eq, %and3A_691, %eq3A_693 : vector<64x512xi32>
      %eq3A_695 = arith.xori %eq3A_694, %eq3A_687 : vector<64x512xi1>
      %eq3A_696 = arith.constant dense<true> : vector<64x512xi1>
      %eq3A_697 = arith.xori %eq3A_695, %eq3A_696 : vector<64x512xi1>
      %max3A_698 = arith.maximumf %select_n3A_677, %select_n3A_688 : vector<64x512xf32>
      %min3A_699 = arith.minimumf %select_n3A_677, %select_n3A_688 : vector<64x512xf32>
      %select_n3A_700 = arith.select %eq3A_697, %max3A_698, %min3A_699 : vector<64x512xi1>, vector<64x512xf32>
      %roll3A_701 = arith.constant 480 : i32
      %roll3A_702 = tpu.dynamic_rotate %select_n3A_700 by %roll3A_701 dim 1 : vector<64x512xf32>, i32 -> vector<64x512xf32>
      %roll3A_703 = arith.constant 32 : i32
      %roll3A_704 = tpu.dynamic_rotate %select_n3A_700 by %roll3A_703 dim 1 : vector<64x512xf32>, i32 -> vector<64x512xf32>
      %and3A_705 = arith.constant 32 : i32
      %and3A_706 = vector.broadcast %and3A_705 : i32 to vector<64x512xi32>
      %and3A_707 = arith.andi %iota3A_15, %and3A_706 : vector<64x512xi32>
      %eq3A_708 = arith.constant 0 : i32
      %eq3A_709 = vector.broadcast %eq3A_708 : i32 to vector<64x512xi32>
      %eq3A_710 = arith.cmpi eq, %and3A_707, %eq3A_709 : vector<64x512xi32>
      %select_n3A_711 = arith.select %eq3A_710, %roll3A_702, %roll3A_704 : vector<64x512xi1>, vector<64x512xf32>
      %and3A_712 = arith.constant 256 : i32
      %and3A_713 = vector.broadcast %and3A_712 : i32 to vector<64x512xi32>
      %and3A_714 = arith.andi %iota3A_15, %and3A_713 : vector<64x512xi32>
      %eq3A_715 = arith.constant 0 : i32
      %eq3A_716 = vector.broadcast %eq3A_715 : i32 to vector<64x512xi32>
      %eq3A_717 = arith.cmpi eq, %and3A_714, %eq3A_716 : vector<64x512xi32>
      %eq3A_718 = arith.xori %eq3A_717, %eq3A_710 : vector<64x512xi1>
      %eq3A_719 = arith.constant dense<true> : vector<64x512xi1>
      %eq3A_720 = arith.xori %eq3A_718, %eq3A_719 : vector<64x512xi1>
      %max3A_721 = arith.maximumf %select_n3A_700, %select_n3A_711 : vector<64x512xf32>
      %min3A_722 = arith.minimumf %select_n3A_700, %select_n3A_711 : vector<64x512xf32>
      %select_n3A_723 = arith.select %eq3A_720, %max3A_721, %min3A_722 : vector<64x512xi1>, vector<64x512xf32>
      %roll3A_724 = arith.constant 496 : i32
      %roll3A_725 = tpu.dynamic_rotate %select_n3A_723 by %roll3A_724 dim 1 : vector<64x512xf32>, i32 -> vector<64x512xf32>
      %roll3A_726 = arith.constant 16 : i32
      %roll3A_727 = tpu.dynamic_rotate %select_n3A_723 by %roll3A_726 dim 1 : vector<64x512xf32>, i32 -> vector<64x512xf32>
      %and3A_728 = arith.constant 16 : i32
      %and3A_729 = vector.broadcast %and3A_728 : i32 to vector<64x512xi32>
      %and3A_730 = arith.andi %iota3A_15, %and3A_729 : vector<64x512xi32>
      %eq3A_731 = arith.constant 0 : i32
      %eq3A_732 = vector.broadcast %eq3A_731 : i32 to vector<64x512xi32>
      %eq3A_733 = arith.cmpi eq, %and3A_730, %eq3A_732 : vector<64x512xi32>
      %select_n3A_734 = arith.select %eq3A_733, %roll3A_725, %roll3A_727 : vector<64x512xi1>, vector<64x512xf32>
      %and3A_735 = arith.constant 256 : i32
      %and3A_736 = vector.broadcast %and3A_735 : i32 to vector<64x512xi32>
      %and3A_737 = arith.andi %iota3A_15, %and3A_736 : vector<64x512xi32>
      %eq3A_738 = arith.constant 0 : i32
      %eq3A_739 = vector.broadcast %eq3A_738 : i32 to vector<64x512xi32>
      %eq3A_740 = arith.cmpi eq, %and3A_737, %eq3A_739 : vector<64x512xi32>
      %eq3A_741 = arith.xori %eq3A_740, %eq3A_733 : vector<64x512xi1>
      %eq3A_742 = arith.constant dense<true> : vector<64x512xi1>
      %eq3A_743 = arith.xori %eq3A_741, %eq3A_742 : vector<64x512xi1>
      %max3A_744 = arith.maximumf %select_n3A_723, %select_n3A_734 : vector<64x512xf32>
      %min3A_745 = arith.minimumf %select_n3A_723, %select_n3A_734 : vector<64x512xf32>
      %select_n3A_746 = arith.select %eq3A_743, %max3A_744, %min3A_745 : vector<64x512xi1>, vector<64x512xf32>
      %roll3A_747 = arith.constant 504 : i32
      %roll3A_748 = tpu.dynamic_rotate %select_n3A_746 by %roll3A_747 dim 1 : vector<64x512xf32>, i32 -> vector<64x512xf32>
      %roll3A_749 = arith.constant 8 : i32
      %roll3A_750 = tpu.dynamic_rotate %select_n3A_746 by %roll3A_749 dim 1 : vector<64x512xf32>, i32 -> vector<64x512xf32>
      %and3A_751 = arith.constant 8 : i32
      %and3A_752 = vector.broadcast %and3A_751 : i32 to vector<64x512xi32>
      %and3A_753 = arith.andi %iota3A_15, %and3A_752 : vector<64x512xi32>
      %eq3A_754 = arith.constant 0 : i32
      %eq3A_755 = vector.broadcast %eq3A_754 : i32 to vector<64x512xi32>
      %eq3A_756 = arith.cmpi eq, %and3A_753, %eq3A_755 : vector<64x512xi32>
      %select_n3A_757 = arith.select %eq3A_756, %roll3A_748, %roll3A_750 : vector<64x512xi1>, vector<64x512xf32>
      %and3A_758 = arith.constant 256 : i32
      %and3A_759 = vector.broadcast %and3A_758 : i32 to vector<64x512xi32>
      %and3A_760 = arith.andi %iota3A_15, %and3A_759 : vector<64x512xi32>
      %eq3A_761 = arith.constant 0 : i32
      %eq3A_762 = vector.broadcast %eq3A_761 : i32 to vector<64x512xi32>
      %eq3A_763 = arith.cmpi eq, %and3A_760, %eq3A_762 : vector<64x512xi32>
      %eq3A_764 = arith.xori %eq3A_763, %eq3A_756 : vector<64x512xi1>
      %eq3A_765 = arith.constant dense<true> : vector<64x512xi1>
      %eq3A_766 = arith.xori %eq3A_764, %eq3A_765 : vector<64x512xi1>
      %max3A_767 = arith.maximumf %select_n3A_746, %select_n3A_757 : vector<64x512xf32>
      %min3A_768 = arith.minimumf %select_n3A_746, %select_n3A_757 : vector<64x512xf32>
      %select_n3A_769 = arith.select %eq3A_766, %max3A_767, %min3A_768 : vector<64x512xi1>, vector<64x512xf32>
      %roll3A_770 = arith.constant 508 : i32
      %roll3A_771 = tpu.dynamic_rotate %select_n3A_769 by %roll3A_770 dim 1 : vector<64x512xf32>, i32 -> vector<64x512xf32>
      %roll3A_772 = arith.constant 4 : i32
      %roll3A_773 = tpu.dynamic_rotate %select_n3A_769 by %roll3A_772 dim 1 : vector<64x512xf32>, i32 -> vector<64x512xf32>
      %and3A_774 = arith.constant 4 : i32
      %and3A_775 = vector.broadcast %and3A_774 : i32 to vector<64x512xi32>
      %and3A_776 = arith.andi %iota3A_15, %and3A_775 : vector<64x512xi32>
      %eq3A_777 = arith.constant 0 : i32
      %eq3A_778 = vector.broadcast %eq3A_777 : i32 to vector<64x512xi32>
      %eq3A_779 = arith.cmpi eq, %and3A_776, %eq3A_778 : vector<64x512xi32>
      %select_n3A_780 = arith.select %eq3A_779, %roll3A_771, %roll3A_773 : vector<64x512xi1>, vector<64x512xf32>
      %and3A_781 = arith.constant 256 : i32
      %and3A_782 = vector.broadcast %and3A_781 : i32 to vector<64x512xi32>
      %and3A_783 = arith.andi %iota3A_15, %and3A_782 : vector<64x512xi32>
      %eq3A_784 = arith.constant 0 : i32
      %eq3A_785 = vector.broadcast %eq3A_784 : i32 to vector<64x512xi32>
      %eq3A_786 = arith.cmpi eq, %and3A_783, %eq3A_785 : vector<64x512xi32>
      %eq3A_787 = arith.xori %eq3A_786, %eq3A_779 : vector<64x512xi1>
      %eq3A_788 = arith.constant dense<true> : vector<64x512xi1>
      %eq3A_789 = arith.xori %eq3A_787, %eq3A_788 : vector<64x512xi1>
      %max3A_790 = arith.maximumf %select_n3A_769, %select_n3A_780 : vector<64x512xf32>
      %min3A_791 = arith.minimumf %select_n3A_769, %select_n3A_780 : vector<64x512xf32>
      %select_n3A_792 = arith.select %eq3A_789, %max3A_790, %min3A_791 : vector<64x512xi1>, vector<64x512xf32>
      %roll3A_793 = arith.constant 510 : i32
      %roll3A_794 = tpu.dynamic_rotate %select_n3A_792 by %roll3A_793 dim 1 : vector<64x512xf32>, i32 -> vector<64x512xf32>
      %roll3A_795 = arith.constant 2 : i32
      %roll3A_796 = tpu.dynamic_rotate %select_n3A_792 by %roll3A_795 dim 1 : vector<64x512xf32>, i32 -> vector<64x512xf32>
      %and3A_797 = arith.constant 2 : i32
      %and3A_798 = vector.broadcast %and3A_797 : i32 to vector<64x512xi32>
      %and3A_799 = arith.andi %iota3A_15, %and3A_798 : vector<64x512xi32>
      %eq3A_800 = arith.constant 0 : i32
      %eq3A_801 = vector.broadcast %eq3A_800 : i32 to vector<64x512xi32>
      %eq3A_802 = arith.cmpi eq, %and3A_799, %eq3A_801 : vector<64x512xi32>
      %select_n3A_803 = arith.select %eq3A_802, %roll3A_794, %roll3A_796 : vector<64x512xi1>, vector<64x512xf32>
      %and3A_804 = arith.constant 256 : i32
      %and3A_805 = vector.broadcast %and3A_804 : i32 to vector<64x512xi32>
      %and3A_806 = arith.andi %iota3A_15, %and3A_805 : vector<64x512xi32>
      %eq3A_807 = arith.constant 0 : i32
      %eq3A_808 = vector.broadcast %eq3A_807 : i32 to vector<64x512xi32>
      %eq3A_809 = arith.cmpi eq, %and3A_806, %eq3A_808 : vector<64x512xi32>
      %eq3A_810 = arith.xori %eq3A_809, %eq3A_802 : vector<64x512xi1>
      %eq3A_811 = arith.constant dense<true> : vector<64x512xi1>
      %eq3A_812 = arith.xori %eq3A_810, %eq3A_811 : vector<64x512xi1>
      %max3A_813 = arith.maximumf %select_n3A_792, %select_n3A_803 : vector<64x512xf32>
      %min3A_814 = arith.minimumf %select_n3A_792, %select_n3A_803 : vector<64x512xf32>
      %select_n3A_815 = arith.select %eq3A_812, %max3A_813, %min3A_814 : vector<64x512xi1>, vector<64x512xf32>
      %roll3A_816 = arith.constant 511 : i32
      %roll3A_817 = tpu.dynamic_rotate %select_n3A_815 by %roll3A_816 dim 1 : vector<64x512xf32>, i32 -> vector<64x512xf32>
      %roll3A_818 = arith.constant 1 : i32
      %roll3A_819 = tpu.dynamic_rotate %select_n3A_815 by %roll3A_818 dim 1 : vector<64x512xf32>, i32 -> vector<64x512xf32>
      %and3A_820 = arith.constant 1 : i32
      %and3A_821 = vector.broadcast %and3A_820 : i32 to vector<64x512xi32>
      %and3A_822 = arith.andi %iota3A_15, %and3A_821 : vector<64x512xi32>
      %eq3A_823 = arith.constant 0 : i32
      %eq3A_824 = vector.broadcast %eq3A_823 : i32 to vector<64x512xi32>
      %eq3A_825 = arith.cmpi eq, %and3A_822, %eq3A_824 : vector<64x512xi32>
      %select_n3A_826 = arith.select %eq3A_825, %roll3A_817, %roll3A_819 : vector<64x512xi1>, vector<64x512xf32>
      %and3A_827 = arith.constant 256 : i32
      %and3A_828 = vector.broadcast %and3A_827 : i32 to vector<64x512xi32>
      %and3A_829 = arith.andi %iota3A_15, %and3A_828 : vector<64x512xi32>
      %eq3A_830 = arith.constant 0 : i32
      %eq3A_831 = vector.broadcast %eq3A_830 : i32 to vector<64x512xi32>
      %eq3A_832 = arith.cmpi eq, %and3A_829, %eq3A_831 : vector<64x512xi32>
      %eq3A_833 = arith.xori %eq3A_832, %eq3A_825 : vector<64x512xi1>
      %eq3A_834 = arith.constant dense<true> : vector<64x512xi1>
      %eq3A_835 = arith.xori %eq3A_833, %eq3A_834 : vector<64x512xi1>
      %max3A_836 = arith.maximumf %select_n3A_815, %select_n3A_826 : vector<64x512xf32>
      %min3A_837 = arith.minimumf %select_n3A_815, %select_n3A_826 : vector<64x512xf32>
      %select_n3A_838 = arith.select %eq3A_835, %max3A_836, %min3A_837 : vector<64x512xi1>, vector<64x512xf32>
      %roll3A_839 = arith.constant 256 : i32
      %roll3A_840 = tpu.dynamic_rotate %select_n3A_838 by %roll3A_839 dim 1 : vector<64x512xf32>, i32 -> vector<64x512xf32>
      %roll3A_841 = arith.constant 256 : i32
      %roll3A_842 = tpu.dynamic_rotate %select_n3A_838 by %roll3A_841 dim 1 : vector<64x512xf32>, i32 -> vector<64x512xf32>
      %and3A_843 = arith.constant 256 : i32
      %and3A_844 = vector.broadcast %and3A_843 : i32 to vector<64x512xi32>
      %and3A_845 = arith.andi %iota3A_15, %and3A_844 : vector<64x512xi32>
      %eq3A_846 = arith.constant 0 : i32
      %eq3A_847 = vector.broadcast %eq3A_846 : i32 to vector<64x512xi32>
      %eq3A_848 = arith.cmpi eq, %and3A_845, %eq3A_847 : vector<64x512xi32>
      %select_n3A_849 = arith.select %eq3A_848, %roll3A_840, %roll3A_842 : vector<64x512xi1>, vector<64x512xf32>
      %and3A_850 = arith.constant 512 : i32
      %and3A_851 = vector.broadcast %and3A_850 : i32 to vector<64x512xi32>
      %and3A_852 = arith.andi %iota3A_15, %and3A_851 : vector<64x512xi32>
      %eq3A_853 = arith.constant 0 : i32
      %eq3A_854 = vector.broadcast %eq3A_853 : i32 to vector<64x512xi32>
      %eq3A_855 = arith.cmpi eq, %and3A_852, %eq3A_854 : vector<64x512xi32>
      %eq3A_856 = arith.xori %eq3A_855, %eq3A_848 : vector<64x512xi1>
      %eq3A_857 = arith.constant dense<true> : vector<64x512xi1>
      %eq3A_858 = arith.xori %eq3A_856, %eq3A_857 : vector<64x512xi1>
      %max3A_859 = arith.maximumf %select_n3A_838, %select_n3A_849 : vector<64x512xf32>
      %min3A_860 = arith.minimumf %select_n3A_838, %select_n3A_849 : vector<64x512xf32>
      %select_n3A_861 = arith.select %eq3A_858, %max3A_859, %min3A_860 : vector<64x512xi1>, vector<64x512xf32>
      %roll3A_862 = arith.constant 384 : i32
      %roll3A_863 = tpu.dynamic_rotate %select_n3A_861 by %roll3A_862 dim 1 : vector<64x512xf32>, i32 -> vector<64x512xf32>
      %roll3A_864 = arith.constant 128 : i32
      %roll3A_865 = tpu.dynamic_rotate %select_n3A_861 by %roll3A_864 dim 1 : vector<64x512xf32>, i32 -> vector<64x512xf32>
      %and3A_866 = arith.constant 128 : i32
      %and3A_867 = vector.broadcast %and3A_866 : i32 to vector<64x512xi32>
      %and3A_868 = arith.andi %iota3A_15, %and3A_867 : vector<64x512xi32>
      %eq3A_869 = arith.constant 0 : i32
      %eq3A_870 = vector.broadcast %eq3A_869 : i32 to vector<64x512xi32>
      %eq3A_871 = arith.cmpi eq, %and3A_868, %eq3A_870 : vector<64x512xi32>
      %select_n3A_872 = arith.select %eq3A_871, %roll3A_863, %roll3A_865 : vector<64x512xi1>, vector<64x512xf32>
      %and3A_873 = arith.constant 512 : i32
      %and3A_874 = vector.broadcast %and3A_873 : i32 to vector<64x512xi32>
      %and3A_875 = arith.andi %iota3A_15, %and3A_874 : vector<64x512xi32>
      %eq3A_876 = arith.constant 0 : i32
      %eq3A_877 = vector.broadcast %eq3A_876 : i32 to vector<64x512xi32>
      %eq3A_878 = arith.cmpi eq, %and3A_875, %eq3A_877 : vector<64x512xi32>
      %eq3A_879 = arith.xori %eq3A_878, %eq3A_871 : vector<64x512xi1>
      %eq3A_880 = arith.constant dense<true> : vector<64x512xi1>
      %eq3A_881 = arith.xori %eq3A_879, %eq3A_880 : vector<64x512xi1>
      %max3A_882 = arith.maximumf %select_n3A_861, %select_n3A_872 : vector<64x512xf32>
      %min3A_883 = arith.minimumf %select_n3A_861, %select_n3A_872 : vector<64x512xf32>
      %select_n3A_884 = arith.select %eq3A_881, %max3A_882, %min3A_883 : vector<64x512xi1>, vector<64x512xf32>
      %roll3A_885 = arith.constant 448 : i32
      %roll3A_886 = tpu.dynamic_rotate %select_n3A_884 by %roll3A_885 dim 1 : vector<64x512xf32>, i32 -> vector<64x512xf32>
      %roll3A_887 = arith.constant 64 : i32
      %roll3A_888 = tpu.dynamic_rotate %select_n3A_884 by %roll3A_887 dim 1 : vector<64x512xf32>, i32 -> vector<64x512xf32>
      %and3A_889 = arith.constant 64 : i32
      %and3A_890 = vector.broadcast %and3A_889 : i32 to vector<64x512xi32>
      %and3A_891 = arith.andi %iota3A_15, %and3A_890 : vector<64x512xi32>
      %eq3A_892 = arith.constant 0 : i32
      %eq3A_893 = vector.broadcast %eq3A_892 : i32 to vector<64x512xi32>
      %eq3A_894 = arith.cmpi eq, %and3A_891, %eq3A_893 : vector<64x512xi32>
      %select_n3A_895 = arith.select %eq3A_894, %roll3A_886, %roll3A_888 : vector<64x512xi1>, vector<64x512xf32>
      %and3A_896 = arith.constant 512 : i32
      %and3A_897 = vector.broadcast %and3A_896 : i32 to vector<64x512xi32>
      %and3A_898 = arith.andi %iota3A_15, %and3A_897 : vector<64x512xi32>
      %eq3A_899 = arith.constant 0 : i32
      %eq3A_900 = vector.broadcast %eq3A_899 : i32 to vector<64x512xi32>
      %eq3A_901 = arith.cmpi eq, %and3A_898, %eq3A_900 : vector<64x512xi32>
      %eq3A_902 = arith.xori %eq3A_901, %eq3A_894 : vector<64x512xi1>
      %eq3A_903 = arith.constant dense<true> : vector<64x512xi1>
      %eq3A_904 = arith.xori %eq3A_902, %eq3A_903 : vector<64x512xi1>
      %max3A_905 = arith.maximumf %select_n3A_884, %select_n3A_895 : vector<64x512xf32>
      %min3A_906 = arith.minimumf %select_n3A_884, %select_n3A_895 : vector<64x512xf32>
      %select_n3A_907 = arith.select %eq3A_904, %max3A_905, %min3A_906 : vector<64x512xi1>, vector<64x512xf32>
      %roll3A_908 = arith.constant 480 : i32
      %roll3A_909 = tpu.dynamic_rotate %select_n3A_907 by %roll3A_908 dim 1 : vector<64x512xf32>, i32 -> vector<64x512xf32>
      %roll3A_910 = arith.constant 32 : i32
      %roll3A_911 = tpu.dynamic_rotate %select_n3A_907 by %roll3A_910 dim 1 : vector<64x512xf32>, i32 -> vector<64x512xf32>
      %and3A_912 = arith.constant 32 : i32
      %and3A_913 = vector.broadcast %and3A_912 : i32 to vector<64x512xi32>
      %and3A_914 = arith.andi %iota3A_15, %and3A_913 : vector<64x512xi32>
      %eq3A_915 = arith.constant 0 : i32
      %eq3A_916 = vector.broadcast %eq3A_915 : i32 to vector<64x512xi32>
      %eq3A_917 = arith.cmpi eq, %and3A_914, %eq3A_916 : vector<64x512xi32>
      %select_n3A_918 = arith.select %eq3A_917, %roll3A_909, %roll3A_911 : vector<64x512xi1>, vector<64x512xf32>
      %and3A_919 = arith.constant 512 : i32
      %and3A_920 = vector.broadcast %and3A_919 : i32 to vector<64x512xi32>
      %and3A_921 = arith.andi %iota3A_15, %and3A_920 : vector<64x512xi32>
      %eq3A_922 = arith.constant 0 : i32
      %eq3A_923 = vector.broadcast %eq3A_922 : i32 to vector<64x512xi32>
      %eq3A_924 = arith.cmpi eq, %and3A_921, %eq3A_923 : vector<64x512xi32>
      %eq3A_925 = arith.xori %eq3A_924, %eq3A_917 : vector<64x512xi1>
      %eq3A_926 = arith.constant dense<true> : vector<64x512xi1>
      %eq3A_927 = arith.xori %eq3A_925, %eq3A_926 : vector<64x512xi1>
      %max3A_928 = arith.maximumf %select_n3A_907, %select_n3A_918 : vector<64x512xf32>
      %min3A_929 = arith.minimumf %select_n3A_907, %select_n3A_918 : vector<64x512xf32>
      %select_n3A_930 = arith.select %eq3A_927, %max3A_928, %min3A_929 : vector<64x512xi1>, vector<64x512xf32>
      %roll3A_931 = arith.constant 496 : i32
      %roll3A_932 = tpu.dynamic_rotate %select_n3A_930 by %roll3A_931 dim 1 : vector<64x512xf32>, i32 -> vector<64x512xf32>
      %roll3A_933 = arith.constant 16 : i32
      %roll3A_934 = tpu.dynamic_rotate %select_n3A_930 by %roll3A_933 dim 1 : vector<64x512xf32>, i32 -> vector<64x512xf32>
      %and3A_935 = arith.constant 16 : i32
      %and3A_936 = vector.broadcast %and3A_935 : i32 to vector<64x512xi32>
      %and3A_937 = arith.andi %iota3A_15, %and3A_936 : vector<64x512xi32>
      %eq3A_938 = arith.constant 0 : i32
      %eq3A_939 = vector.broadcast %eq3A_938 : i32 to vector<64x512xi32>
      %eq3A_940 = arith.cmpi eq, %and3A_937, %eq3A_939 : vector<64x512xi32>
      %select_n3A_941 = arith.select %eq3A_940, %roll3A_932, %roll3A_934 : vector<64x512xi1>, vector<64x512xf32>
      %and3A_942 = arith.constant 512 : i32
      %and3A_943 = vector.broadcast %and3A_942 : i32 to vector<64x512xi32>
      %and3A_944 = arith.andi %iota3A_15, %and3A_943 : vector<64x512xi32>
      %eq3A_945 = arith.constant 0 : i32
      %eq3A_946 = vector.broadcast %eq3A_945 : i32 to vector<64x512xi32>
      %eq3A_947 = arith.cmpi eq, %and3A_944, %eq3A_946 : vector<64x512xi32>
      %eq3A_948 = arith.xori %eq3A_947, %eq3A_940 : vector<64x512xi1>
      %eq3A_949 = arith.constant dense<true> : vector<64x512xi1>
      %eq3A_950 = arith.xori %eq3A_948, %eq3A_949 : vector<64x512xi1>
      %max3A_951 = arith.maximumf %select_n3A_930, %select_n3A_941 : vector<64x512xf32>
      %min3A_952 = arith.minimumf %select_n3A_930, %select_n3A_941 : vector<64x512xf32>
      %select_n3A_953 = arith.select %eq3A_950, %max3A_951, %min3A_952 : vector<64x512xi1>, vector<64x512xf32>
      %roll3A_954 = arith.constant 504 : i32
      %roll3A_955 = tpu.dynamic_rotate %select_n3A_953 by %roll3A_954 dim 1 : vector<64x512xf32>, i32 -> vector<64x512xf32>
      %roll3A_956 = arith.constant 8 : i32
      %roll3A_957 = tpu.dynamic_rotate %select_n3A_953 by %roll3A_956 dim 1 : vector<64x512xf32>, i32 -> vector<64x512xf32>
      %and3A_958 = arith.constant 8 : i32
      %and3A_959 = vector.broadcast %and3A_958 : i32 to vector<64x512xi32>
      %and3A_960 = arith.andi %iota3A_15, %and3A_959 : vector<64x512xi32>
      %eq3A_961 = arith.constant 0 : i32
      %eq3A_962 = vector.broadcast %eq3A_961 : i32 to vector<64x512xi32>
      %eq3A_963 = arith.cmpi eq, %and3A_960, %eq3A_962 : vector<64x512xi32>
      %select_n3A_964 = arith.select %eq3A_963, %roll3A_955, %roll3A_957 : vector<64x512xi1>, vector<64x512xf32>
      %and3A_965 = arith.constant 512 : i32
      %and3A_966 = vector.broadcast %and3A_965 : i32 to vector<64x512xi32>
      %and3A_967 = arith.andi %iota3A_15, %and3A_966 : vector<64x512xi32>
      %eq3A_968 = arith.constant 0 : i32
      %eq3A_969 = vector.broadcast %eq3A_968 : i32 to vector<64x512xi32>
      %eq3A_970 = arith.cmpi eq, %and3A_967, %eq3A_969 : vector<64x512xi32>
      %eq3A_971 = arith.xori %eq3A_970, %eq3A_963 : vector<64x512xi1>
      %eq3A_972 = arith.constant dense<true> : vector<64x512xi1>
      %eq3A_973 = arith.xori %eq3A_971, %eq3A_972 : vector<64x512xi1>
      %max3A_974 = arith.maximumf %select_n3A_953, %select_n3A_964 : vector<64x512xf32>
      %min3A_975 = arith.minimumf %select_n3A_953, %select_n3A_964 : vector<64x512xf32>
      %select_n3A_976 = arith.select %eq3A_973, %max3A_974, %min3A_975 : vector<64x512xi1>, vector<64x512xf32>
      %roll3A_977 = arith.constant 508 : i32
      %roll3A_978 = tpu.dynamic_rotate %select_n3A_976 by %roll3A_977 dim 1 : vector<64x512xf32>, i32 -> vector<64x512xf32>
      %roll3A_979 = arith.constant 4 : i32
      %roll3A_980 = tpu.dynamic_rotate %select_n3A_976 by %roll3A_979 dim 1 : vector<64x512xf32>, i32 -> vector<64x512xf32>
      %and3A_981 = arith.constant 4 : i32
      %and3A_982 = vector.broadcast %and3A_981 : i32 to vector<64x512xi32>
      %and3A_983 = arith.andi %iota3A_15, %and3A_982 : vector<64x512xi32>
      %eq3A_984 = arith.constant 0 : i32
      %eq3A_985 = vector.broadcast %eq3A_984 : i32 to vector<64x512xi32>
      %eq3A_986 = arith.cmpi eq, %and3A_983, %eq3A_985 : vector<64x512xi32>
      %select_n3A_987 = arith.select %eq3A_986, %roll3A_978, %roll3A_980 : vector<64x512xi1>, vector<64x512xf32>
      %and3A_988 = arith.constant 512 : i32
      %and3A_989 = vector.broadcast %and3A_988 : i32 to vector<64x512xi32>
      %and3A_990 = arith.andi %iota3A_15, %and3A_989 : vector<64x512xi32>
      %eq3A_991 = arith.constant 0 : i32
      %eq3A_992 = vector.broadcast %eq3A_991 : i32 to vector<64x512xi32>
      %eq3A_993 = arith.cmpi eq, %and3A_990, %eq3A_992 : vector<64x512xi32>
      %eq3A_994 = arith.xori %eq3A_993, %eq3A_986 : vector<64x512xi1>
      %eq3A_995 = arith.constant dense<true> : vector<64x512xi1>
      %eq3A_996 = arith.xori %eq3A_994, %eq3A_995 : vector<64x512xi1>
      %max3A_997 = arith.maximumf %select_n3A_976, %select_n3A_987 : vector<64x512xf32>
      %min3A_998 = arith.minimumf %select_n3A_976, %select_n3A_987 : vector<64x512xf32>
      %select_n3A_999 = arith.select %eq3A_996, %max3A_997, %min3A_998 : vector<64x512xi1>, vector<64x512xf32>
      %roll3A_1000 = arith.constant 510 : i32
      %roll3A_1001 = tpu.dynamic_rotate %select_n3A_999 by %roll3A_1000 dim 1 : vector<64x512xf32>, i32 -> vector<64x512xf32>
      %roll3A_1002 = arith.constant 2 : i32
      %roll3A_1003 = tpu.dynamic_rotate %select_n3A_999 by %roll3A_1002 dim 1 : vector<64x512xf32>, i32 -> vector<64x512xf32>
      %and3A_1004 = arith.constant 2 : i32
      %and3A_1005 = vector.broadcast %and3A_1004 : i32 to vector<64x512xi32>
      %and3A_1006 = arith.andi %iota3A_15, %and3A_1005 : vector<64x512xi32>
      %eq3A_1007 = arith.constant 0 : i32
      %eq3A_1008 = vector.broadcast %eq3A_1007 : i32 to vector<64x512xi32>
      %eq3A_1009 = arith.cmpi eq, %and3A_1006, %eq3A_1008 : vector<64x512xi32>
      %select_n3A_1010 = arith.select %eq3A_1009, %roll3A_1001, %roll3A_1003 : vector<64x512xi1>, vector<64x512xf32>
      %and3A_1011 = arith.constant 512 : i32
      %and3A_1012 = vector.broadcast %and3A_1011 : i32 to vector<64x512xi32>
      %and3A_1013 = arith.andi %iota3A_15, %and3A_1012 : vector<64x512xi32>
      %eq3A_1014 = arith.constant 0 : i32
      %eq3A_1015 = vector.broadcast %eq3A_1014 : i32 to vector<64x512xi32>
      %eq3A_1016 = arith.cmpi eq, %and3A_1013, %eq3A_1015 : vector<64x512xi32>
      %eq3A_1017 = arith.xori %eq3A_1016, %eq3A_1009 : vector<64x512xi1>
      %eq3A_1018 = arith.constant dense<true> : vector<64x512xi1>
      %eq3A_1019 = arith.xori %eq3A_1017, %eq3A_1018 : vector<64x512xi1>
      %max3A_1020 = arith.maximumf %select_n3A_999, %select_n3A_1010 : vector<64x512xf32>
      %min3A_1021 = arith.minimumf %select_n3A_999, %select_n3A_1010 : vector<64x512xf32>
      %select_n3A_1022 = arith.select %eq3A_1019, %max3A_1020, %min3A_1021 : vector<64x512xi1>, vector<64x512xf32>
      %roll3A_1023 = arith.constant 511 : i32
      %roll3A_1024 = tpu.dynamic_rotate %select_n3A_1022 by %roll3A_1023 dim 1 : vector<64x512xf32>, i32 -> vector<64x512xf32>
      %roll3A_1025 = arith.constant 1 : i32
      %roll3A_1026 = tpu.dynamic_rotate %select_n3A_1022 by %roll3A_1025 dim 1 : vector<64x512xf32>, i32 -> vector<64x512xf32>
      %and3A_1027 = arith.constant 1 : i32
      %and3A_1028 = vector.broadcast %and3A_1027 : i32 to vector<64x512xi32>
      %and3A_1029 = arith.andi %iota3A_15, %and3A_1028 : vector<64x512xi32>
      %eq3A_1030 = arith.constant 0 : i32
      %eq3A_1031 = vector.broadcast %eq3A_1030 : i32 to vector<64x512xi32>
      %eq3A_1032 = arith.cmpi eq, %and3A_1029, %eq3A_1031 : vector<64x512xi32>
      %select_n3A_1033 = arith.select %eq3A_1032, %roll3A_1024, %roll3A_1026 : vector<64x512xi1>, vector<64x512xf32>
      %and3A_1034 = arith.constant 512 : i32
      %and3A_1035 = vector.broadcast %and3A_1034 : i32 to vector<64x512xi32>
      %and3A_1036 = arith.andi %iota3A_15, %and3A_1035 : vector<64x512xi32>
      %eq3A_1037 = arith.constant 0 : i32
      %eq3A_1038 = vector.broadcast %eq3A_1037 : i32 to vector<64x512xi32>
      %eq3A_1039 = arith.cmpi eq, %and3A_1036, %eq3A_1038 : vector<64x512xi32>
      %eq3A_1040 = arith.xori %eq3A_1039, %eq3A_1032 : vector<64x512xi1>
      %eq3A_1041 = arith.constant dense<true> : vector<64x512xi1>
      %eq3A_1042 = arith.xori %eq3A_1040, %eq3A_1041 : vector<64x512xi1>
      %max3A_1043 = arith.maximumf %select_n3A_1022, %select_n3A_1033 : vector<64x512xf32>
      %min3A_1044 = arith.minimumf %select_n3A_1022, %select_n3A_1033 : vector<64x512xf32>
      %select_n3A_1045 = arith.select %eq3A_1042, %max3A_1043, %min3A_1044 : vector<64x512xi1>, vector<64x512xf32>
      %jit3A_1046 = arith.constant 0.000000e+00 : f32
      %broadcast_in_dim3A_1047 = vector.broadcast %jit3A_1046 : f32 to vector<64x512xf32>
      %select_n3A_1048 = arith.select %lt3A_9, %select_n3A_1045, %broadcast_in_dim3A_1047 : vector<64x512xi1>, vector<64x512xf32>
      %mul3A_1049 = arith.mulf %select_n3A_1048, %select_n3A_1048 : vector<64x512xf32>
      %ge3A = arith.constant 1 : i32
      %ge3A_1050 = vector.broadcast %ge3A : i32 to vector<64x512xi32>
      %ge3A_1051 = arith.cmpi sge, %iota3A, %ge3A_1050 : vector<64x512xi32>
      %roll3A_1052 = arith.constant 1 : i32
      %roll3A_1053 = tpu.dynamic_rotate %select_n3A_1048 by %roll3A_1052 dim 1 : vector<64x512xf32>, i32 -> vector<64x512xf32>
      %jit3A_1054 = arith.constant 0.000000e+00 : f32
      %broadcast_in_dim3A_1055 = vector.broadcast %jit3A_1054 : f32 to vector<64x512xf32>
      %select_n3A_1056 = arith.select %ge3A_1051, %roll3A_1053, %broadcast_in_dim3A_1055 : vector<64x512xi1>, vector<64x512xf32>
      %add3A = arith.addf %select_n3A_1048, %select_n3A_1056 : vector<64x512xf32>
      %ge3A_1057 = arith.constant 1 : i32
      %ge3A_1058 = vector.broadcast %ge3A_1057 : i32 to vector<64x512xi32>
      %ge3A_1059 = arith.cmpi sge, %iota3A, %ge3A_1058 : vector<64x512xi32>
      %roll3A_1060 = arith.constant 1 : i32
      %roll3A_1061 = tpu.dynamic_rotate %mul3A_1049 by %roll3A_1060 dim 1 : vector<64x512xf32>, i32 -> vector<64x512xf32>
      %jit3A_1062 = arith.constant 0.000000e+00 : f32
      %broadcast_in_dim3A_1063 = vector.broadcast %jit3A_1062 : f32 to vector<64x512xf32>
      %select_n3A_1064 = arith.select %ge3A_1059, %roll3A_1061, %broadcast_in_dim3A_1063 : vector<64x512xi1>, vector<64x512xf32>
      %add3A_1065 = arith.addf %mul3A_1049, %select_n3A_1064 : vector<64x512xf32>
      %ge3A_1066 = arith.constant 2 : i32
      %ge3A_1067 = vector.broadcast %ge3A_1066 : i32 to vector<64x512xi32>
      %ge3A_1068 = arith.cmpi sge, %iota3A, %ge3A_1067 : vector<64x512xi32>
      %roll3A_1069 = arith.constant 2 : i32
      %roll3A_1070 = tpu.dynamic_rotate %add3A by %roll3A_1069 dim 1 : vector<64x512xf32>, i32 -> vector<64x512xf32>
      %jit3A_1071 = arith.constant 0.000000e+00 : f32
      %broadcast_in_dim3A_1072 = vector.broadcast %jit3A_1071 : f32 to vector<64x512xf32>
      %select_n3A_1073 = arith.select %ge3A_1068, %roll3A_1070, %broadcast_in_dim3A_1072 : vector<64x512xi1>, vector<64x512xf32>
      %add3A_1074 = arith.addf %add3A, %select_n3A_1073 : vector<64x512xf32>
      %ge3A_1075 = arith.constant 2 : i32
      %ge3A_1076 = vector.broadcast %ge3A_1075 : i32 to vector<64x512xi32>
      %ge3A_1077 = arith.cmpi sge, %iota3A, %ge3A_1076 : vector<64x512xi32>
      %roll3A_1078 = arith.constant 2 : i32
      %roll3A_1079 = tpu.dynamic_rotate %add3A_1065 by %roll3A_1078 dim 1 : vector<64x512xf32>, i32 -> vector<64x512xf32>
      %jit3A_1080 = arith.constant 0.000000e+00 : f32
      %broadcast_in_dim3A_1081 = vector.broadcast %jit3A_1080 : f32 to vector<64x512xf32>
      %select_n3A_1082 = arith.select %ge3A_1077, %roll3A_1079, %broadcast_in_dim3A_1081 : vector<64x512xi1>, vector<64x512xf32>
      %add3A_1083 = arith.addf %add3A_1065, %select_n3A_1082 : vector<64x512xf32>
      %ge3A_1084 = arith.constant 4 : i32
      %ge3A_1085 = vector.broadcast %ge3A_1084 : i32 to vector<64x512xi32>
      %ge3A_1086 = arith.cmpi sge, %iota3A, %ge3A_1085 : vector<64x512xi32>
      %roll3A_1087 = arith.constant 4 : i32
      %roll3A_1088 = tpu.dynamic_rotate %add3A_1074 by %roll3A_1087 dim 1 : vector<64x512xf32>, i32 -> vector<64x512xf32>
      %jit3A_1089 = arith.constant 0.000000e+00 : f32
      %broadcast_in_dim3A_1090 = vector.broadcast %jit3A_1089 : f32 to vector<64x512xf32>
      %select_n3A_1091 = arith.select %ge3A_1086, %roll3A_1088, %broadcast_in_dim3A_1090 : vector<64x512xi1>, vector<64x512xf32>
      %add3A_1092 = arith.addf %add3A_1074, %select_n3A_1091 : vector<64x512xf32>
      %ge3A_1093 = arith.constant 4 : i32
      %ge3A_1094 = vector.broadcast %ge3A_1093 : i32 to vector<64x512xi32>
      %ge3A_1095 = arith.cmpi sge, %iota3A, %ge3A_1094 : vector<64x512xi32>
      %roll3A_1096 = arith.constant 4 : i32
      %roll3A_1097 = tpu.dynamic_rotate %add3A_1083 by %roll3A_1096 dim 1 : vector<64x512xf32>, i32 -> vector<64x512xf32>
      %jit3A_1098 = arith.constant 0.000000e+00 : f32
      %broadcast_in_dim3A_1099 = vector.broadcast %jit3A_1098 : f32 to vector<64x512xf32>
      %select_n3A_1100 = arith.select %ge3A_1095, %roll3A_1097, %broadcast_in_dim3A_1099 : vector<64x512xi1>, vector<64x512xf32>
      %add3A_1101 = arith.addf %add3A_1083, %select_n3A_1100 : vector<64x512xf32>
      %ge3A_1102 = arith.constant 8 : i32
      %ge3A_1103 = vector.broadcast %ge3A_1102 : i32 to vector<64x512xi32>
      %ge3A_1104 = arith.cmpi sge, %iota3A, %ge3A_1103 : vector<64x512xi32>
      %roll3A_1105 = arith.constant 8 : i32
      %roll3A_1106 = tpu.dynamic_rotate %add3A_1092 by %roll3A_1105 dim 1 : vector<64x512xf32>, i32 -> vector<64x512xf32>
      %jit3A_1107 = arith.constant 0.000000e+00 : f32
      %broadcast_in_dim3A_1108 = vector.broadcast %jit3A_1107 : f32 to vector<64x512xf32>
      %select_n3A_1109 = arith.select %ge3A_1104, %roll3A_1106, %broadcast_in_dim3A_1108 : vector<64x512xi1>, vector<64x512xf32>
      %add3A_1110 = arith.addf %add3A_1092, %select_n3A_1109 : vector<64x512xf32>
      %ge3A_1111 = arith.constant 8 : i32
      %ge3A_1112 = vector.broadcast %ge3A_1111 : i32 to vector<64x512xi32>
      %ge3A_1113 = arith.cmpi sge, %iota3A, %ge3A_1112 : vector<64x512xi32>
      %roll3A_1114 = arith.constant 8 : i32
      %roll3A_1115 = tpu.dynamic_rotate %add3A_1101 by %roll3A_1114 dim 1 : vector<64x512xf32>, i32 -> vector<64x512xf32>
      %jit3A_1116 = arith.constant 0.000000e+00 : f32
      %broadcast_in_dim3A_1117 = vector.broadcast %jit3A_1116 : f32 to vector<64x512xf32>
      %select_n3A_1118 = arith.select %ge3A_1113, %roll3A_1115, %broadcast_in_dim3A_1117 : vector<64x512xi1>, vector<64x512xf32>
      %add3A_1119 = arith.addf %add3A_1101, %select_n3A_1118 : vector<64x512xf32>
      %ge3A_1120 = arith.constant 16 : i32
      %ge3A_1121 = vector.broadcast %ge3A_1120 : i32 to vector<64x512xi32>
      %ge3A_1122 = arith.cmpi sge, %iota3A, %ge3A_1121 : vector<64x512xi32>
      %roll3A_1123 = arith.constant 16 : i32
      %roll3A_1124 = tpu.dynamic_rotate %add3A_1110 by %roll3A_1123 dim 1 : vector<64x512xf32>, i32 -> vector<64x512xf32>
      %jit3A_1125 = arith.constant 0.000000e+00 : f32
      %broadcast_in_dim3A_1126 = vector.broadcast %jit3A_1125 : f32 to vector<64x512xf32>
      %select_n3A_1127 = arith.select %ge3A_1122, %roll3A_1124, %broadcast_in_dim3A_1126 : vector<64x512xi1>, vector<64x512xf32>
      %add3A_1128 = arith.addf %add3A_1110, %select_n3A_1127 : vector<64x512xf32>
      %ge3A_1129 = arith.constant 16 : i32
      %ge3A_1130 = vector.broadcast %ge3A_1129 : i32 to vector<64x512xi32>
      %ge3A_1131 = arith.cmpi sge, %iota3A, %ge3A_1130 : vector<64x512xi32>
      %roll3A_1132 = arith.constant 16 : i32
      %roll3A_1133 = tpu.dynamic_rotate %add3A_1119 by %roll3A_1132 dim 1 : vector<64x512xf32>, i32 -> vector<64x512xf32>
      %jit3A_1134 = arith.constant 0.000000e+00 : f32
      %broadcast_in_dim3A_1135 = vector.broadcast %jit3A_1134 : f32 to vector<64x512xf32>
      %select_n3A_1136 = arith.select %ge3A_1131, %roll3A_1133, %broadcast_in_dim3A_1135 : vector<64x512xi1>, vector<64x512xf32>
      %add3A_1137 = arith.addf %add3A_1119, %select_n3A_1136 : vector<64x512xf32>
      %ge3A_1138 = arith.constant 32 : i32
      %ge3A_1139 = vector.broadcast %ge3A_1138 : i32 to vector<64x512xi32>
      %ge3A_1140 = arith.cmpi sge, %iota3A, %ge3A_1139 : vector<64x512xi32>
      %roll3A_1141 = arith.constant 32 : i32
      %roll3A_1142 = tpu.dynamic_rotate %add3A_1128 by %roll3A_1141 dim 1 : vector<64x512xf32>, i32 -> vector<64x512xf32>
      %jit3A_1143 = arith.constant 0.000000e+00 : f32
      %broadcast_in_dim3A_1144 = vector.broadcast %jit3A_1143 : f32 to vector<64x512xf32>
      %select_n3A_1145 = arith.select %ge3A_1140, %roll3A_1142, %broadcast_in_dim3A_1144 : vector<64x512xi1>, vector<64x512xf32>
      %add3A_1146 = arith.addf %add3A_1128, %select_n3A_1145 : vector<64x512xf32>
      %ge3A_1147 = arith.constant 32 : i32
      %ge3A_1148 = vector.broadcast %ge3A_1147 : i32 to vector<64x512xi32>
      %ge3A_1149 = arith.cmpi sge, %iota3A, %ge3A_1148 : vector<64x512xi32>
      %roll3A_1150 = arith.constant 32 : i32
      %roll3A_1151 = tpu.dynamic_rotate %add3A_1137 by %roll3A_1150 dim 1 : vector<64x512xf32>, i32 -> vector<64x512xf32>
      %jit3A_1152 = arith.constant 0.000000e+00 : f32
      %broadcast_in_dim3A_1153 = vector.broadcast %jit3A_1152 : f32 to vector<64x512xf32>
      %select_n3A_1154 = arith.select %ge3A_1149, %roll3A_1151, %broadcast_in_dim3A_1153 : vector<64x512xi1>, vector<64x512xf32>
      %add3A_1155 = arith.addf %add3A_1137, %select_n3A_1154 : vector<64x512xf32>
      %ge3A_1156 = arith.constant 64 : i32
      %ge3A_1157 = vector.broadcast %ge3A_1156 : i32 to vector<64x512xi32>
      %ge3A_1158 = arith.cmpi sge, %iota3A, %ge3A_1157 : vector<64x512xi32>
      %roll3A_1159 = arith.constant 64 : i32
      %roll3A_1160 = tpu.dynamic_rotate %add3A_1146 by %roll3A_1159 dim 1 : vector<64x512xf32>, i32 -> vector<64x512xf32>
      %jit3A_1161 = arith.constant 0.000000e+00 : f32
      %broadcast_in_dim3A_1162 = vector.broadcast %jit3A_1161 : f32 to vector<64x512xf32>
      %select_n3A_1163 = arith.select %ge3A_1158, %roll3A_1160, %broadcast_in_dim3A_1162 : vector<64x512xi1>, vector<64x512xf32>
      %add3A_1164 = arith.addf %add3A_1146, %select_n3A_1163 : vector<64x512xf32>
      %ge3A_1165 = arith.constant 64 : i32
      %ge3A_1166 = vector.broadcast %ge3A_1165 : i32 to vector<64x512xi32>
      %ge3A_1167 = arith.cmpi sge, %iota3A, %ge3A_1166 : vector<64x512xi32>
      %roll3A_1168 = arith.constant 64 : i32
      %roll3A_1169 = tpu.dynamic_rotate %add3A_1155 by %roll3A_1168 dim 1 : vector<64x512xf32>, i32 -> vector<64x512xf32>
      %jit3A_1170 = arith.constant 0.000000e+00 : f32
      %broadcast_in_dim3A_1171 = vector.broadcast %jit3A_1170 : f32 to vector<64x512xf32>
      %select_n3A_1172 = arith.select %ge3A_1167, %roll3A_1169, %broadcast_in_dim3A_1171 : vector<64x512xi1>, vector<64x512xf32>
      %add3A_1173 = arith.addf %add3A_1155, %select_n3A_1172 : vector<64x512xf32>
      %ge3A_1174 = arith.constant 128 : i32
      %ge3A_1175 = vector.broadcast %ge3A_1174 : i32 to vector<64x512xi32>
      %ge3A_1176 = arith.cmpi sge, %iota3A, %ge3A_1175 : vector<64x512xi32>
      %roll3A_1177 = arith.constant 128 : i32
      %roll3A_1178 = tpu.dynamic_rotate %add3A_1164 by %roll3A_1177 dim 1 : vector<64x512xf32>, i32 -> vector<64x512xf32>
      %jit3A_1179 = arith.constant 0.000000e+00 : f32
      %broadcast_in_dim3A_1180 = vector.broadcast %jit3A_1179 : f32 to vector<64x512xf32>
      %select_n3A_1181 = arith.select %ge3A_1176, %roll3A_1178, %broadcast_in_dim3A_1180 : vector<64x512xi1>, vector<64x512xf32>
      %add3A_1182 = arith.addf %add3A_1164, %select_n3A_1181 : vector<64x512xf32>
      %ge3A_1183 = arith.constant 128 : i32
      %ge3A_1184 = vector.broadcast %ge3A_1183 : i32 to vector<64x512xi32>
      %ge3A_1185 = arith.cmpi sge, %iota3A, %ge3A_1184 : vector<64x512xi32>
      %roll3A_1186 = arith.constant 128 : i32
      %roll3A_1187 = tpu.dynamic_rotate %add3A_1173 by %roll3A_1186 dim 1 : vector<64x512xf32>, i32 -> vector<64x512xf32>
      %jit3A_1188 = arith.constant 0.000000e+00 : f32
      %broadcast_in_dim3A_1189 = vector.broadcast %jit3A_1188 : f32 to vector<64x512xf32>
      %select_n3A_1190 = arith.select %ge3A_1185, %roll3A_1187, %broadcast_in_dim3A_1189 : vector<64x512xi1>, vector<64x512xf32>
      %add3A_1191 = arith.addf %add3A_1173, %select_n3A_1190 : vector<64x512xf32>
      %ge3A_1192 = arith.constant 256 : i32
      %ge3A_1193 = vector.broadcast %ge3A_1192 : i32 to vector<64x512xi32>
      %ge3A_1194 = arith.cmpi sge, %iota3A, %ge3A_1193 : vector<64x512xi32>
      %roll3A_1195 = arith.constant 256 : i32
      %roll3A_1196 = tpu.dynamic_rotate %add3A_1182 by %roll3A_1195 dim 1 : vector<64x512xf32>, i32 -> vector<64x512xf32>
      %jit3A_1197 = arith.constant 0.000000e+00 : f32
      %broadcast_in_dim3A_1198 = vector.broadcast %jit3A_1197 : f32 to vector<64x512xf32>
      %select_n3A_1199 = arith.select %ge3A_1194, %roll3A_1196, %broadcast_in_dim3A_1198 : vector<64x512xi1>, vector<64x512xf32>
      %add3A_1200 = arith.addf %add3A_1182, %select_n3A_1199 : vector<64x512xf32>
      %ge3A_1201 = arith.constant 256 : i32
      %ge3A_1202 = vector.broadcast %ge3A_1201 : i32 to vector<64x512xi32>
      %ge3A_1203 = arith.cmpi sge, %iota3A, %ge3A_1202 : vector<64x512xi32>
      %roll3A_1204 = arith.constant 256 : i32
      %roll3A_1205 = tpu.dynamic_rotate %add3A_1191 by %roll3A_1204 dim 1 : vector<64x512xf32>, i32 -> vector<64x512xf32>
      %jit3A_1206 = arith.constant 0.000000e+00 : f32
      %broadcast_in_dim3A_1207 = vector.broadcast %jit3A_1206 : f32 to vector<64x512xf32>
      %select_n3A_1208 = arith.select %ge3A_1203, %roll3A_1205, %broadcast_in_dim3A_1207 : vector<64x512xi1>, vector<64x512xf32>
      %add3A_1209 = arith.addf %add3A_1191, %select_n3A_1208 : vector<64x512xf32>
      %convert_element_type3A_1210 = arith.sitofp %iota3A : vector<64x512xi32> to vector<64x512xf32>
      %add3A_1211 = arith.constant 1.000000e+00 : f32
      %add3A_1212 = vector.broadcast %add3A_1211 : f32 to vector<64x512xf32>
      %add3A_1213 = arith.addf %convert_element_type3A_1210, %add3A_1212 : vector<64x512xf32>
      %div3A = arith.divf %add3A_1200, %add3A_1213 : vector<64x512xf32>
      %div3A_1214 = arith.divf %add3A_1209, %add3A_1213 : vector<64x512xf32>
      %mul3A_1215 = arith.mulf %div3A, %div3A : vector<64x512xf32>
      %sub3A = arith.subf %div3A_1214, %mul3A_1215 : vector<64x512xf32>
      %mul3A_1216 = arith.mulf %add3A_1213, %sub3A : vector<64x512xf32>
      %sub3A_1217 = arith.constant 1.000000e+00 : f32
      %sub3A_1218 = vector.broadcast %sub3A_1217 : f32 to vector<64x512xf32>
      %sub3A_1219 = arith.subf %sub3A_1218, %mul3A_1216 : vector<64x512xf32>
      %div3A_1220 = arith.divf %sub3A_1219, %add3A_1213 : vector<64x512xf32>
      %sqrt3A = math.sqrt %div3A_1220 : vector<64x512xf32>
      %sub3A_1221 = arith.subf %div3A, %sqrt3A : vector<64x512xf32>
      %le3A = arith.cmpf ole, %sub3A_1221, %select_n3A_1045 : vector<64x512xf32>
      %and3A_1222 = arith.andi %le3A, %lt3A_9 : vector<64x512xi1>
      %convert_element_type3A_1223 = arith.extui %and3A_1222 : vector<64x512xi1> to vector<64x512xi32>
      %reduce_sum3A = arith.constant dense<0> : vector<64xi32>
      %reduce_sum3A_1224 = vector.multi_reduction <add>, %convert_element_type3A_1223, %reduce_sum3A [1] : vector<64x512xi32> to vector<64xi32>
      %broadcast_in_dim3A_1225 = vector.shape_cast %reduce_sum3A_1224 : vector<64xi32> to vector<64x1xi32>
      %sub3A_1226 = arith.constant 1 : i32
      %sub3A_1227 = vector.broadcast %sub3A_1226 : i32 to vector<64x1xi32>
      %sub3A_1228 = arith.subi %broadcast_in_dim3A_1225, %sub3A_1227 : vector<64x1xi32>
      %eq3A_1229 = vector.broadcast %sub3A_1228 : vector<64x1xi32> to vector<64x512xi32>
      %eq3A_1230 = arith.cmpi eq, %iota3A, %eq3A_1229 : vector<64x512xi32>
      %jit3A_1231 = arith.constant 0.000000e+00 : f32
      %broadcast_in_dim3A_1232 = vector.broadcast %jit3A_1231 : f32 to vector<64x512xf32>
      %select_n3A_1233 = arith.select %eq3A_1230, %sub3A_1221, %broadcast_in_dim3A_1232 : vector<64x512xi1>, vector<64x512xf32>
      %reduce_sum3A_1234 = arith.constant dense<0.000000e+00> : vector<64xf32>
      %reduce_sum3A_1235 = vector.multi_reduction <add>, %select_n3A_1233, %reduce_sum3A_1234 [1] : vector<64x512xf32> to vector<64xf32>
      %broadcast_in_dim3A_1236 = vector.shape_cast %reduce_sum3A_1235 : vector<64xf32> to vector<64x1xf32>
      %sub3A_1237 = vector.broadcast %broadcast_in_dim3A_1236 : vector<64x1xf32> to vector<64x512xf32>
      %sub3A_1238 = arith.subf %select_n3A_1045, %sub3A_1237 : vector<64x512xf32>
      %max3A_1239 = arith.constant 0.000000e+00 : f32
      %max3A_1240 = vector.broadcast %max3A_1239 : f32 to vector<64x512xf32>
      %max3A_1241 = arith.maximumf %sub3A_1238, %max3A_1240 : vector<64x512xf32>
      %mul3A_1242 = arith.mulf %max3A_1241, %max3A_1241 : vector<64x512xf32>
      %swap3A = arith.constant 0 : index
      %swap3A_1243 = arith.constant 0 : index
      %swap3A_1244 = vector.load %arg2[%swap3A, %swap3A_1243] : memref<64x8192xf32, #tpu.memory_space<vmem>>, vector<64x512xf32>
      tpu.vector_store %arg2[%swap3A, %swap3A_1243], %mul3A_1242 {strides = array<i32>} : memref<64x8192xf32, #tpu.memory_space<vmem>>, vector<64x512xf32>,
      %broadcast_in_dim3A_1245 = arith.constant 0.000000e+00 : f32
      %broadcast_in_dim3A_1246 = vector.broadcast %broadcast_in_dim3A_1245 : f32 to vector<64x7680xf32>
      %swap3A_1247 = arith.constant 0 : index
      %swap3A_1248 = arith.constant 512 : index
      %swap3A_1249 = vector.load %arg2[%swap3A_1247, %swap3A_1248] : memref<64x8192xf32, #tpu.memory_space<vmem>>, vector<64x7680xf32>
      tpu.vector_store %arg2[%swap3A_1247, %swap3A_1248], %broadcast_in_dim3A_1246 {strides = array<i32>} : memref<64x8192xf32, #tpu.memory_space<vmem>>, vector<64x7680xf32>,
    }
    return
  }
}

</mosaic_0001>

<sc_bundles>
// kernel: kernel.5.cloned.1.call-start
scs
__scs_entry_jumppad:
0x0: {  	(pc) =	sbr.rel $0x88, $3  }
0x1: {  	(tag) =	ssettag $0x0;
	lr =	simm.s32 $0x1  }
0x2: {  	[smem:$0x3FA0] =	sst lr;
	_ =	strace $0xD0000000  }
0x3: {  	_ = 	snop  }
0x4: {  	_ = 	snop  }
0x5: {  	_ = 	snop  }
0x6: {  	_ = 	snop  }
0x7: {  	_ = 	snop  }
__scs_overlays_trampoline_lowered:
0x8: {  	[smem:$0x3FAF] =	sst s0  }
0x9: {  	[smem:$0x3FB0] =	sst s1  }
0xa: {  	[smem:$0x3FB1] =	sst s2  }
0xb: {  	[smem:$0x3FB2] =	sst s3  }
0xc: {  	[smem:$0x3FB3] =	sst s4  }
0xd: {  	[smem:$0x3FB4] =	sst s5  }
0xe: {  	[smem:$0x3FB5] =	sst s6  }
0xf: {  	[smem:$0x3FB6] =	sst s7  }
0x10: {  	[smem:$0x3FB7] =	sst s8  }
0x11: {  	[smem:$0x3FB8] =	sst s9;
	s0 =	simm.s32 @!p0 $0x0  }
0x12: {  	s1 =	sld [smem:$0x3F9E];
	s0 =	simm.s32 @p0 $0x1  }
0x13: {  	[smem:$0x3FB9] =	sst s0;
	s0 =	simm.s32 @!p1 $0x0  }
0x14: {  	s2 =	sld [smem:$0x3F9D];
	s0 =	simm.s32 @p1 $0x1  }
0x15: {  	[smem:$0x3FBA] =	sst s0;
	s0 =	simm.s32 @!p2 $0x0  }
0x16: {  	s3 =	sld [smem:$0x3FDB];
	s0 =	simm.s32 @p2 $0x1  }
0x17: {  	s4 =	simm.s32 $0x1BF5;
	[smem:$0x3FBC] =	sst s0  }
0x18: {  	s0 =	sld [smem:$0x3F9F];
	_ =	swait.ge [sflag:s4], $0x0  }
0x19: {  	s7 =	sld [smem:$0x3FA0]  }
0x1a: {  	s8 =	sadd.s32 $0xFFFFE003, lr  }
0x1b: {  	s9 =	sadd.s32 $0xFFFFFEF7, lr;
	s5 =	simm.s32 $0xFFFFFFFF;
	p2 =	slt.u32 s8, $0xFFFFF086  }
0x1c: {  	p1 =	slt.u32 s9, $0xF7A;
	s5 =	simm.s32 @!p2 $0x0  }
0x1d: {  	s5 =	simm.s32 @p1 $0x1;
	p0 =	seq.s32 s7, s2  }
0x1e: {  	s7 =	smul.u32 @!p0 $0xF7A, s2;
	p2 =	seq.s32 @!p0 s5, $0x0  }
0x1f: {  	s9 =	smul.u32 $0xF7A, s1;
	s8 =	simm.s32 @!p0 $0x1BF5;
	p2 =	por !p2, p0  }
0x20: {  	[sflag:s8] =	ssyncset.s32 @!p0 $0xFFFFF086;
	s6 =	sadd.s32 @!p0 s3, s7;
	s7 =	simm.s32 @!p0 $0x108  }
0x21: {  	s3 =	sadd.s32 s3, s9;
	s6 =	sadd.s32 @!p0 $0x88, s6;
	s7 =	simm.s32 @p2 $0x1082  }
0x22: {  	[simem:s7], [sflag:s8] =	dma.local @!p0 [hbm:s6], $0xF7A  }
0x23: {  	s9 =	sor.u32 $0xD0000000, s2;
	s6 =	simm.s32 $0x108;
	_ =	swait.ge @!p0 [sflag:s8], $0x0  }
0x24: {  	s3 =	sadd.s32 $0x88, s3;
	s6 =	simm.s32 @!p1 $0x1082;
	[sflag:s4] =	ssyncset.s32 $0xFFFFF086  }
0x25: {  	[simem:s6], [sflag:s4] =	dma.local [hbm:s3], $0xF7A  }
0x26: {  	[smem:$0x3FA0] =	sst s1;
	(tag) =	ssettag s2;
	_ =	strace s9  }
0x27: {  	s1 =	sld [smem:$0x3FB0]  }
0x28: {  	s2 =	sld [smem:$0x3FB1]  }
0x29: {  	s4 =	sld [smem:$0x3FB3]  }
0x2a: {  	p0 =	seq.s32 s5, $0x0;
	s5 =	sld [smem:$0x3FB4]  }
0x2b: {  	s6 =	sld [smem:$0x3FB5]  }
0x2c: {  	s7 =	sld [smem:$0x3FB6]  }
0x2d: {  	s3 =	simm.s32 $0x108;
	s8 =	sld [smem:$0x3FB7]  }
0x2e: {  	s3 =	simm.s32 @!p0 $0x1082;
	s9 =	sld [smem:$0x3FB8]  }
0x2f: {  	lr =	sadd.s32 s0, s3;
	s0 =	sld [smem:$0x3FAF]  }
0x30: {  	s3 =	sld [smem:$0x3FB2]  }
0x31: {  	[smem:$0x3FBB] =	sst s10  }
0x32: {  	s10 =	sld [smem:$0x3FB9];
	_ =	sdelay $0x3  }
0x33: {  	p0 =	seq.s32 s10, $0x1;
	s10 =	sld [smem:$0x3FBB];
	_ =	sdelay $0x3  }
0x34: {  	[smem:$0x3FBB] =	sst s10  }
0x35: {  	s10 =	sld [smem:$0x3FBA];
	_ =	sdelay $0x3  }
0x36: {  	p1 =	seq.s32 s10, $0x1;
	s10 =	sld [smem:$0x3FBB];
	_ =	sdelay $0x3  }
0x37: {  	[smem:$0x3FBB] =	sst s10  }
0x38: {  	s10 =	sld [smem:$0x3FBC]  }
0x39: {  	_ = 	snop;
	(pc) =	sbr.ind lr, $3  }
0x3a: {  	_ = 	snop  }
0x3b: {  	_ = 	snop  }
0x3c: {  	p2 =	seq.s32 s10, $0x1;
	s10 =	sld [smem:$0x3FBB]  }
0x3d: {  	_ =	shalt  }
0x3e: {  	_ =	shalt  }
0x3f: {  	_ =	shalt  }
0x40: {  	_ =	shalt  }
0x41: {  	_ =	shalt  }
0x42: {  	_ =	shalt  }
0x43: {  	_ =	shalt  }
0x44: {  	_ =	shalt  }
0x45: {  	_ =	shalt  }
0x46: {  	_ =	shalt  }
0x47: {  	_ =	shalt  }
0x48: {  	_ =	shalt  }
0x49: {  	_ =	shalt  }
0x4a: {  	_ =	shalt  }
0x4b: {  	_ =	shalt  }
0x4c: {  	_ =	shalt  }
0x4d: {  	_ =	shalt  }
0x4e: {  	_ =	shalt  }
0x4f: {  	_ =	shalt  }
0x50: {  	_ =	shalt  }
0x51: {  	_ =	shalt  }
0x52: {  	_ =	shalt  }
0x53: {  	_ =	shalt  }
0x54: {  	_ =	shalt  }
0x55: {  	_ =	shalt  }
0x56: {  	_ =	shalt  }
0x57: {  	_ =	shalt  }
0x58: {  	_ =	shalt  }
0x59: {  	_ =	shalt  }
0x5a: {  	_ =	shalt  }
0x5b: {  	_ =	shalt  }
0x5c: {  	_ =	shalt  }
0x5d: {  	_ =	shalt  }
0x5e: {  	_ =	shalt  }
0x5f: {  	_ =	shalt  }
0x60: {  	_ =	shalt  }
0x61: {  	_ =	shalt  }
0x62: {  	_ =	shalt  }
0x63: {  	_ =	shalt  }
0x64: {  	_ =	shalt  }
0x65: {  	_ =	shalt  }
0x66: {  	_ =	shalt  }
0x67: {  	_ =	shalt  }
0x68: {  	_ =	shalt  }
0x69: {  	_ =	shalt  }
0x6a: {  	_ =	shalt  }
0x6b: {  	_ =	shalt  }
0x6c: {  	_ =	shalt  }
0x6d: {  	_ =	shalt  }
0x6e: {  	_ =	shalt  }
0x6f: {  	_ =	shalt  }
0x70: {  	_ =	shalt  }
0x71: {  	_ =	shalt  }
0x72: {  	_ =	shalt  }
0x73: {  	_ =	shalt  }
0x74: {  	_ =	shalt  }
0x75: {  	_ =	shalt  }
0x76: {  	_ =	shalt  }
0x77: {  	_ =	shalt  }
0x78: {  	_ =	shalt  }
0x79: {  	_ =	shalt  }
0x7a: {  	_ =	shalt  }
0x7b: {  	_ =	shalt  }
0x7c: {  	_ =	shalt  }
0x7d: {  	_ =	shalt  }
0x7e: {  	_ =	shalt  }
0x7f: {  	_ =	shalt  }
0x80: {  	_ =	shalt  }
0x81: {  	_ =	shalt  }
0x82: {  	_ =	shalt  }
0x83: {  	_ =	shalt  }
0x84: {  	_ =	shalt  }
0x85: {  	_ =	shalt  }
0x86: {  	_ =	shalt  }
0x87: {  	_ =	shalt  }
.Lfunc_end0:
.L_simem_size_0:
called_computation_lowered:
.L_overlay_start_0:
0x88: {  	s2 =	sld [smem:$0x3FD9]  }
0x89: {  	s3 =	sld [smem:$0x3FFE];
	_ =	sdelay $0x1  }
0x8a: {  	s1 =	srdreg.scid  }
0x8b: {  	s0 =	sand.u32 $0x1, s1  }
0x8c: {  	s17 =	sshll.u32 s0, $0xA;
	s2 =	sadd.s32 s3, s2  }
0x8d: {  	s2 =	sadd.s32 s2, s17  }
0x8e: {  	[smem:$0x3FC7] =	sst s2  }
0x8f: {  	_ = 	snop  }
0x90: {  	s2 =	sld [smem:$0x3FC9]  }
0x91: {  	s18 =	sld [smem:$0x3FD0];
	(tm) =	ssettm $0x1  }
0x92: {  	s4 =	sld [smem:$0x3FFB];
	_ =	sdelay $0x3  }
0x93: {  	_ =	strace s4  }
0x94: {  	s4 =	sld [smem:$0x3FFC];
	_ =	sdelay $0x3  }
0x95: {  	_ =	strace s4  }
0x96: {  	s4 =	sld [smem:$0x3FFD];
	_ =	sdelay $0x3  }
0x97: {  	_ =	strace s4  }
0x98: {  	_ =	strace $0x8FFFFFFF  }
0x99: {  	s19 =	sld [smem:$0x3FDB];
	_ =	sdelay $0x1  }
0x9a: {  	s5 =	simm.s32 $_scs_section_size  }
0x9b: {  	s6 =	simm.s32 $_size__tile_overlayer_lowered;
	s7 =	simm.s32 $_tile_overlayer_lowered  }
0x9c: {  	s22 =	simm.s32 $0x1BFF;
	s21 =	sshll.u32 s7, $0x1;
	s4 =	sadd.s32 s5, s19  }
0x9d: {  	s8 =	simm.s32 $0x0;
	s20 =	sshll.u32 s6, $0x1;
	s6 =	sadd.s32 s21, s4  }
0x9e: {  	[timem:s8], [sflag:s22] =	dma.local [hbm:s6], s20  }
0x9f: {  	_ =	swait.ge [sflag:s22], s20  }
0xa0: {  	s5 =	ssub.s32 $0x0, s20;
	[sflag:s22] =	ssyncset.done $0x0  }
0xa1: {  	[sflag:s22] =	ssyncadd.s32 s5;
	_ =	sdelay $0x1  }
0xa2: {  	s23 =	simm.s32 $0x1B8B  }
0xa3: {  	_ =	swait.ge [sflag:s23], $0x1  }
0xa4: {  	[sflag:s23] =	ssyncset.done $0x0  }
0xa5: {  	s25 =	simm.s32 $0x1B8E;
	s24 =	sld [smem:$0x3FFE];
	[sflag:s23] =	ssyncadd.s32 $0xFFFFFFFF  }
0xa6: {  	s26 =	simm.s32 $execute0_lowered;
	[smem:$0x3FD2] =	sst s25  }
0xa7: {  	s6 =	sshll.u32 s26, $0x1;
	_ =	strace $0x80000046;
	[dreg:$0x1] =	wrdreg $0xFFFFFFFF  }
0xa8: {  	s28 =	simm.s32 $_size_execute0_lowered;
	s4 =	sadd.s32 s4, s6;
	[dreg:$0x0] =	wrdreg $0x0  }
0xa9: {  	s6 =	sshll.u32 s28, $0x1;
	[dreg:$0x2] =	wrdreg s4  }
0xaa: {  	[dreg:$0x3] =	wrdreg s6  }
0xab: {  	[dreg:$0x4] =	wrdreg $0xC0  }
0xac: {  	_ =	task [dreg:s8], $0x5FFFF  }
0xad: {  	[dreg:$0x1] =	wrdreg $0xFFFFFFFF  }
0xae: {  	[dreg:$0x0] =	wrdreg $0x60  }
0xaf: {  	[dreg:$0x2] =	wrdreg s2  }
0xb0: {  	[dreg:$0x3] =	wrdreg s24  }
0xb1: {  	[dreg:$0x4] =	wrdreg s18  }
0xb2: {  	[dreg:$0x5] =	wrdreg $0x9  }
0xb3: {  	_ =	task.clear_ibuf [dreg:s8], $0x6FFFF;
	_ =	strace $0x90000046  }
0xb4: {  	s29 =	simm.s32 $0x9;
	_ =	strace $0x80000048  }
0xb5: {  	_ =	swait.ge [sflag:s29], $0x1  }
0xb6: {  	[sflag:s29] =	ssyncadd.s32 $0xFFFFFFFF  }
0xb7: {  	_ =	strace $0x90000048  }
0xb8: {  	_ =	sfence  }
0xb9: {  	s30 =	sld [smem:$0x0];
	_ =	sdelay $0x2  }
0xba: {  	s31 =	sshll.u32 s1, $0xD;
	s1 =	sshrl.u32 s1, $0x2  }
0xbb: {  	s3 =	sand.u32 $0x4000, s31;
	s1 =	sadd.s32 s1, s30  }
0xbc: {  	s0 =	sor.u32 s3, s0;
	s1 =	sshll.u32 s1, $0x11  }
0xbd: {  	s0 =	sor.u32 s1, s0  }
0xbe: {  	s0 =	sadd.s32 $0x8F2B, s0  }
0xbf: {  	[sflag:s0] =	ssyncadd.remote.s32 $0x1  }
0xc0: {  	_ =	sfence.sel $0xFFFF  }
0xc1: {  	[dreg:$0x0] =	wrdreg $0xFFFFFFFF;
	(pc) =	sbr.abs _section_cstart, $3  }
0xc2: {  	[dreg:$0x1] =	wrdreg $0xFFFFFFFF  }
0xc3: {  	_ =	task.clear_ibuf [dreg:s8], $0x2FFFF;
	_ =	strace $0x9FFFFFFF  }
0xc4: {  	(tm) =	ssettm $0x7FFFFFFF  }
0xc5: {  	_ =	shalt  }
tec
execute0_lowered:
.L_overlay_start_1:
0x0: {  	(tag) =	ssettag $0x1  }
0x1: {  	s7 =	rddreg [dreg:$0x0]  }
0x2: {  	s4 =	rddreg [dreg:$0x1]  }
0x3: {  	s8 =	rddreg [dreg:$0x2]  }
0x4: {  	s0 =	rddreg [dreg:$0x3]  }
0x5: {  	s3 =	srdreg.scid;
	s2 =	simm.s32 $0x0;
	s1 =	stileid.u32  }
0x6: {  	s13 =	simm.s32 $0x80;
	s14 =	simm.s32 $0x400;
	s15 =	simm.s32 $0x2000  }
0x7: {  	s16 =	simm.s32 $0x0;
	s5 =	sand.u32 $0x1, s3;
	[smem:$0x7FF] =	sst s2  }
0x8: {  	s26 =	sshll.u32 s1, $0x2;
	s4 =	sadd.s32 $0x600, s4;
	s6 =	sshll.u32 s5, $0x1  }
0x9: {  	s28 =	sshrl.u32 s1, $0x1;
	_ =	strace $0x80000047;
	s3 =	sor.u32 s6, s26  }
0xa: {  	s5 =	ssub.s32 $0x2, s5;
	s10 =	sshll.u32 s28, $0x10;
	s9 =	sshll.u32 s3, $0x7  }
0xb: {  	s11 =	sshrl.u32 s5, $0x1;
	s6 =	smul.u32 $0x1400, s28;
	s9 =	sand.u32 $0x300, s9  }
0xc: {  	s11 =	ssub.s32 s5, s11;
	s12 =	sor.u32 s10, s9;
	s30 =	sor.u32 $0x80, s9  }
0xd: {  	s9 =	sor.u32 s6, s9;
	s29 =	sshrl.u32 s12, $0x3;
	s10 =	sor.u32 s10, s30  }
0xe: {  	s9 =	sshrl.u32 s9, $0x3;
	s12 =	sor.u32 s6, s30;
	s5 =	sadd.s32 s7, s29  }
0xf: {  	s10 =	sshrl.u32 s10, $0x3;
	s6 =	sadd.s32 s8, s9;
	s31 =	sshrl.u32 s12, $0x3  }
0x10: {  	s9 =	smax.u32 s11, $0x1;
	s11 =	simm.s32 $0x1;
	s12 =	sor.u32 $0x2280, s3  }
0x11: {  	v0 =	vimm.s32 $0x0;
	s7 =	sadd.s32 s7, s10;
	s8 =	sadd.s32 s8, s31;
	s10 =	simm.s32 $0x2280  }
.LBB2_1:
0x12: {  	[tilespmem:s10], [sflag:$0x1] =	stream.linear.gather [hbm4b:s4+s2], $0x40, $0x38;
	[tilespmem:$0x2300] =	vst v63  }
0x13: {  	_ =	swait.ge [sflag:s11], $0x40  }
0x14: {  	[sflag:s11] =	ssyncset.done $0x0  }
0x15: {  	[sflag:s11] =	ssyncadd.s32 $0xFFFFFFC0  }
0x16: {  	v1 =	vld.msk [tilespmem:s12+$0x0 ss:$0x0], $0xffff;
	[tilespmem:s2], [sflag:$0x1] =	stream.strided.gather [hbm4b:s5+s13], $0x2000, s14, s13, $0x38  }
0x17: {  	_ =	swait.ge [sflag:s11], $0x2000  }
0x18: {  	[sflag:s11] =	ssyncset.done $0x0  }
0x19: {  	s17 =	simm.s32 $0x0;
	v2 =	vimm.s32 $0x0;
	[sflag:s11] =	ssyncadd.s32 $0xFFFFE000  }
.LBB2_2:
0x1a: {  	s18 =	sshra.s32 s17, $0x2  }
0x1b: {  	v3 =	vld [tilespmem:s18+$0x0];
	_ =	sdelay $0x4  }
0x1c: {  	vm0 =	vge.f32 v3, v1  }
0x1d: {  	v4 =	vsel vm0, $0x1, v0  }
0x1e: {  	(xrf0) =	vadd.scan.msk.s32 $0xffff, v4;
	_ =	sdelay $0x4  }
0x1f: {  	v50 =	vsel vm0, $0xFFFFFFFF, v0  }
0x20: {  	v4 =	vadd.s32 v50, v2;
	v5, _, _ =	vpop (xrf0)  }
0x21: {  	v4 =	vadd.s32 v5, v4  }
0x22: {  	vm1 =	vlt.s32 v4, $0x20F  }
0x23: {  	v4 =	vnsel vm1, $0x20F, v4;
	_ =	sdelay $0x4  }
0x24: {  	[tilespmem:v4+s15+$0x0] =	vst.idx.msk vm0, v3  }
0x25: {  	v3 =	vld [tilespmem:s18+$0x10];
	_ =	sdelay $0x4  }
0x26: {  	vm10 =	vge.f32 v3, v1  }
0x27: {  	v51 =	vsel vm10, $0x1, v0  }
0x28: {  	(xrf0) =	vadd.scan.msk.s32 $0xffff, v51;
	_ =	sdelay $0x2  }
0x29: {  	v52 =	vmpcnt.ones.xlane vm0;
	_ =	sdelay $0x1  }
0x2a: {  	v2 =	vadd.s32 v2, v52;
	v53 =	vsel vm10, $0xFFFFFFFF, v0  }
0x2b: {  	v4 =	vadd.s32 v53, v2;
	v54, _, _ =	vpop (xrf0)  }
0x2c: {  	v4 =	vadd.s32 v54, v4  }
0x2d: {  	vm11 =	vlt.s32 v4, $0x20F  }
0x2e: {  	v4 =	vnsel vm11, $0x20F, v4;
	_ =	sdelay $0x4  }
0x2f: {  	[tilespmem:v4+s15+$0x0] =	vst.idx.msk vm10, v3  }
0x30: {  	v3 =	vld [tilespmem:s18+$0x20];
	_ =	sdelay $0x4  }
0x31: {  	vm12 =	vge.f32 v3, v1  }
0x32: {  	v55 =	vsel vm12, $0x1, v0  }
0x33: {  	(xrf0) =	vadd.scan.msk.s32 $0xffff, v55;
	_ =	sdelay $0x2  }
0x34: {  	v56 =	vmpcnt.ones.xlane vm10;
	_ =	sdelay $0x1  }
0x35: {  	v2 =	vadd.s32 v2, v56;
	v57 =	vsel vm12, $0xFFFFFFFF, v0  }
0x36: {  	v4 =	vadd.s32 v57, v2;
	v58, _, _ =	vpop (xrf0)  }
0x37: {  	v4 =	vadd.s32 v58, v4  }
0x38: {  	vm13 =	vlt.s32 v4, $0x20F  }
0x39: {  	v4 =	vnsel vm13, $0x20F, v4;
	_ =	sdelay $0x4  }
0x3a: {  	[tilespmem:v4+s15+$0x0] =	vst.idx.msk vm12, v3  }
0x3b: {  	v3 =	vld [tilespmem:s18+$0x30];
	_ =	sdelay $0x4  }
0x3c: {  	vm14 =	vge.f32 v3, v1  }
0x3d: {  	v59 =	vsel vm14, $0x1, v0  }
0x3e: {  	(xrf0) =	vadd.scan.msk.s32 $0xffff, v59;
	_ =	sdelay $0x2  }
0x3f: {  	v60 =	vmpcnt.ones.xlane vm12;
	_ =	sdelay $0x1  }
0x40: {  	v2 =	vadd.s32 v2, v60;
	v61 =	vsel vm14, $0xFFFFFFFF, v0  }
0x41: {  	v4 =	vadd.s32 v61, v2;
	v62, _, _ =	vpop (xrf0)  }
0x42: {  	v4 =	vadd.s32 v62, v4  }
0x43: {  	vm15 =	vlt.s32 v4, $0x20F  }
0x44: {  	p0 =	sne.s32 s17, $0x7F00;
	v4 =	vnsel vm15, $0x20F, v4  }
.Ltmp0:
0x45: {  	_ = 	snop;
	(pc) =	sbr.rel @p0 .LBB2_2-.Ltmp0, $3  }
0x46: {  	_ = 	snop  }
0x47: {  	v63 =	vmpcnt.ones.xlane vm14;
	_ =	sdelay $0x1  }
0x48: {  	s17 =	sadd.s32 $0x100, s17;
	v2 =	vadd.s32 v2, v63;
	[tilespmem:v4+s15+$0x0] =	vst.idx.msk vm14, v3  }
0x49: {  	v1 =	vcvt.s32.f32 v2;
	_ =	sdelay $0x1  }
0x4a: {  	[tilespmem:$0x2200] =	vst v1  }
0x4b: {  	[hbm4b:s6+s13] =	stream.strided.scatter [tilespmem:s15], [sflag:$0x1], $0x280, s14, s13, $0x38;
	[tilespmem:$0x2300] =	vst v63  }
0x4c: {  	_ =	swait.ge [sflag:s11], $0x280  }
0x4d: {  	[sflag:s11] =	ssyncset.done $0x0  }
0x4e: {  	s17 =	simm.s32 $0x0;
	[sflag:s11] =	ssyncadd.s32 $0xFFFFFD80  }
0x4f: {  	v1 =	vld.msk [tilespmem:s3+$0x2281 ss:$0x0], $0xffff;
	[tilespmem:s17], [sflag:$0x1] =	stream.strided.gather [hbm4b:s7+s13], $0x2000, s14, s13, $0x38  }
0x50: {  	_ =	swait.ge [sflag:s11], $0x2000  }
0x51: {  	[sflag:s11] =	ssyncset.done $0x0  }
0x52: {  	v2 =	vimm.s32 $0x0;
	[sflag:s11] =	ssyncadd.s32 $0xFFFFE000  }
.LBB2_4:
0x53: {  	s18 =	sshra.s32 s17, $0x2  }
0x54: {  	v3 =	vld [tilespmem:s18+$0x0];
	_ =	sdelay $0x4  }
0x55: {  	vm0 =	vge.f32 v3, v1  }
0x56: {  	v4 =	vsel vm0, $0x1, v0  }
0x57: {  	(xrf0) =	vadd.scan.msk.s32 $0xffff, v4;
	_ =	sdelay $0x4  }
0x58: {  	v50 =	vsel vm0, $0xFFFFFFFF, v0  }
0x59: {  	v4 =	vadd.s32 v50, v2;
	v5, _, _ =	vpop (xrf0)  }
0x5a: {  	v4 =	vadd.s32 v5, v4  }
0x5b: {  	vm1 =	vlt.s32 v4, $0x20F  }
0x5c: {  	v4 =	vnsel vm1, $0x20F, v4;
	_ =	sdelay $0x4  }
0x5d: {  	[tilespmem:v4+s15+$0x0] =	vst.idx.msk vm0, v3  }
0x5e: {  	v3 =	vld [tilespmem:s18+$0x10];
	_ =	sdelay $0x4  }
0x5f: {  	vm10 =	vge.f32 v3, v1  }
0x60: {  	v51 =	vsel vm10, $0x1, v0  }
0x61: {  	(xrf0) =	vadd.scan.msk.s32 $0xffff, v51;
	_ =	sdelay $0x2  }
0x62: {  	v52 =	vmpcnt.ones.xlane vm0;
	_ =	sdelay $0x1  }
0x63: {  	v2 =	vadd.s32 v2, v52;
	v53 =	vsel vm10, $0xFFFFFFFF, v0  }
0x64: {  	v4 =	vadd.s32 v53, v2;
	v54, _, _ =	vpop (xrf0)  }
0x65: {  	v4 =	vadd.s32 v54, v4  }
0x66: {  	vm11 =	vlt.s32 v4, $0x20F  }
0x67: {  	v4 =	vnsel vm11, $0x20F, v4;
	_ =	sdelay $0x4  }
0x68: {  	[tilespmem:v4+s15+$0x0] =	vst.idx.msk vm10, v3  }
0x69: {  	v3 =	vld [tilespmem:s18+$0x20];
	_ =	sdelay $0x4  }
0x6a: {  	vm12 =	vge.f32 v3, v1  }
0x6b: {  	v55 =	vsel vm12, $0x1, v0  }
0x6c: {  	(xrf0) =	vadd.scan.msk.s32 $0xffff, v55;
	_ =	sdelay $0x2  }
0x6d: {  	v56 =	vmpcnt.ones.xlane vm10;
	_ =	sdelay $0x1  }
0x6e: {  	v2 =	vadd.s32 v2, v56;
	v57 =	vsel vm12, $0xFFFFFFFF, v0  }
0x6f: {  	v4 =	vadd.s32 v57, v2;
	v58, _, _ =	vpop (xrf0)  }
0x70: {  	v4 =	vadd.s32 v58, v4  }
0x71: {  	vm13 =	vlt.s32 v4, $0x20F  }
0x72: {  	v4 =	vnsel vm13, $0x20F, v4;
	_ =	sdelay $0x4  }
0x73: {  	[tilespmem:v4+s15+$0x0] =	vst.idx.msk vm12, v3  }
0x74: {  	v3 =	vld [tilespmem:s18+$0x30];
	_ =	sdelay $0x4  }
0x75: {  	vm14 =	vge.f32 v3, v1  }
0x76: {  	v59 =	vsel vm14, $0x1, v0  }
0x77: {  	(xrf0) =	vadd.scan.msk.s32 $0xffff, v59;
	_ =	sdelay $0x2  }
0x78: {  	v60 =	vmpcnt.ones.xlane vm12;
	_ =	sdelay $0x1  }
0x79: {  	v2 =	vadd.s32 v2, v60;
	v61 =	vsel vm14, $0xFFFFFFFF, v0  }
0x7a: {  	v4 =	vadd.s32 v61, v2;
	v62, _, _ =	vpop (xrf0)  }
0x7b: {  	v4 =	vadd.s32 v62, v4  }
0x7c: {  	vm15 =	vlt.s32 v4, $0x20F  }
0x7d: {  	p0 =	sne.s32 s17, $0x7F00;
	v4 =	vnsel vm15, $0x20F, v4  }
.Ltmp1:
0x7e: {  	_ = 	snop;
	(pc) =	sbr.rel @p0 .LBB2_4-.Ltmp1, $3  }
0x7f: {  	_ = 	snop  }
0x80: {  	v63 =	vmpcnt.ones.xlane vm14;
	_ =	sdelay $0x1  }
0x81: {  	s17 =	sadd.s32 $0x100, s17;
	v2 =	vadd.s32 v2, v63;
	[tilespmem:v4+s15+$0x0] =	vst.idx.msk vm14, v3  }
0x82: {  	v1 =	vcvt.s32.f32 v2;
	s16 =	sadd.s32 $0x1, s16  }
0x83: {  	p0 =	sne.s32 s16, s9  }
.Ltmp2:
0x84: {  	[tilespmem:$0x2200] =	vst v1;
	(pc) =	sbr.rel @p0 .LBB2_1-.Ltmp2, $4  }
0x85: {  	[hbm4b:s8+s13] =	stream.strided.scatter [tilespmem:s15], [sflag:$0x1], $0x280, s14, s13, $0x38;
	[tilespmem:$0x2300] =	vst v63  }
0x86: {  	_ =	swait.ge [sflag:s11], $0x280  }
0x87: {  	[sflag:s11] =	ssyncset.done $0x0  }
0x88: {  	[sflag:s11] =	ssyncadd.s32 $0xFFFFFD80  }
0x89: {  	_ =	sfence.sel $0x180000  }
0x8a: {  	[bflag:$0x0] =	sbarrier.arrive $0xFFFF  }
0x8b: {  	p0 =	sne.s32 s1, $0x0;
	_ =	strace $0x90000047  }
0x8c: {  	s0 =	sadd.s32 @!p0 $0x100000, s0;
	[bflag:$0x2] =	sbarrier.arrive $0xFFFF  }
0x8d: {  	[sflag:s0] =	ssyncadd.tile.s32 @!p0 $0x1;
	_ =	shalt  }
.Lfunc_end2:
_tile_overlayer_lowered:
.L_overlay_start_2:
0x8e: {  	(tag) =	ssettag $0x2  }
0x8f: {  	s0 =	rddreg [dreg:$0x0];
	s2 =	stileid.u32  }
0x90: {  	s1 =	rddreg [dreg:$0x1];
	p0 =	sne.s32 s2, $0x0  }
0x91: {  	s3 =	rddreg [dreg:$0x2];
	[bflag:$0x3] =	sbarrier.arrive $0xFFFF;
	s2 =	simm.s32 @!p0 $0x1C01  }
0x92: {  	[timem:s3], [sflag:s2] =	dma.local @!p0 [hbm:s0], s1  }
0x93: {  	s0 =	simm.s32 @!p0 $0x1  }
0x94: {  	_ =	swait.ge @!p0 [sflag:s0], s1  }
0x95: {  	s1 =	ssub.s32 @!p0 $0x0, s1;
	[sflag:s0] =	ssyncset.done @!p0 $0x0  }
0x96: {  	[sflag:s0] =	ssyncadd.s32 @!p0 s1  }
0x97: {  	[bflag:$0x3] =	sbarrier.arrive $0xFFFF  }
0x98: {  	_ =	shalt  }

</sc_bundles>
